<compile_context>
chip_gen: v7x
topology: tpu7x:2x2x1
jax: 0.10.2.dev20260603
libtpu: 0.0.44.dev20260713+nightly
codegen_flags: <defaults>
</compile_context>

<pallas_src>
import functools

import jax
import jax.numpy as jnp
from jax import lax
from jax.experimental import pallas as pl
from jax.experimental.pallas import tpu as pltpu
from jax.experimental.pallas import tpu_sc as plsc

DIM = 64
LANES = 16
NUM_CORES = 2
NUM_SUBCORES = 16
NUM_WORKERS = NUM_CORES * NUM_SUBCORES
CHUNK = 128
D_UNROLL = 8


def _scores_sc(users, items, user_table, item_table):
    batch = users.shape[0]
    b_per_w = batch // NUM_WORKERS
    n_chunk = b_per_w // CHUNK
    groups_per_chunk = CHUNK // LANES

    mesh = plsc.VectorSubcoreMesh(core_axis_name="c", subcore_axis_name="s")

    @functools.partial(
        pl.kernel,
        mesh=mesh,
        out_type=jax.ShapeDtypeStruct((batch,), jnp.float32),
        scratch_types=[
            pltpu.VMEM((n_chunk, CHUNK), jnp.int32),
            pltpu.VMEM((n_chunk, CHUNK), jnp.int32),
            pltpu.VMEM((b_per_w, DIM), jnp.float32),
            pltpu.VMEM((b_per_w, DIM), jnp.float32),
            pltpu.VMEM((b_per_w,), jnp.float32),
            pltpu.SemaphoreType.DMA((n_chunk,)),
        ],
        compiler_params=pltpu.CompilerParams(
            needs_layout_passes=False,
            use_tc_tiling_on_sc=False,
        ),
    )
    def k(users_hbm, items_hbm, ut_hbm, it_hbm, out_hbm,
          uidx_v, iidx_v, urows_v, irows_v, out_v, sems):
        wid = lax.axis_index("s") * NUM_CORES + lax.axis_index("c")
        base = wid * b_per_w
        lane = lax.iota(jnp.int32, LANES)

        for j in range(n_chunk):
            pltpu.sync_copy(users_hbm.at[pl.ds(base + j * CHUNK, CHUNK)],
                            uidx_v.at[j])
            pltpu.sync_copy(items_hbm.at[pl.ds(base + j * CHUNK, CHUNK)],
                            iidx_v.at[j])

        copies = []
        for j in range(n_chunk):
            cu = pltpu.async_copy(ut_hbm.at[uidx_v.at[j]],
                                  urows_v.at[pl.ds(j * CHUNK, CHUNK)],
                                  sems.at[j])
            ci = pltpu.async_copy(it_hbm.at[iidx_v.at[j]],
                                  irows_v.at[pl.ds(j * CHUNK, CHUNK)],
                                  sems.at[j])
            copies.append((cu, ci))

        for j in range(n_chunk):
            cu, ci = copies[j]
            cu.wait()
            ci.wait()

            def group_body(g, _, j=j):
                row0 = (j * groups_per_chunk) * LANES + g * LANES
                row_idx = row0 + lane
                zero = jnp.zeros((LANES,), jnp.float32)

                def d_body(db, accs, row_idx=row_idx):
                    a0, a1 = accs
                    d0 = db * D_UNROLL
                    for t in range(D_UNROLL):
                        col = jnp.full((LANES,), d0 + t, jnp.int32)
                        u = plsc.load_gather(urows_v, [row_idx, col])
                        v = plsc.load_gather(irows_v, [row_idx, col])
                        if t % 2 == 0:
                            a0 = a0 + u * v
                        else:
                            a1 = a1 + u * v
                    return (a0, a1)

                a0, a1 = lax.fori_loop(0, DIM // D_UNROLL, d_body, (zero, zero))
                out_v[pl.ds(row0, LANES)] = a0 + a1
                return 0

            lax.fori_loop(0, groups_per_chunk, group_body, 0)

        pltpu.sync_copy(out_v, out_hbm.at[pl.ds(base, b_per_w)])

    return k(users, items, user_table, item_table)


def kernel(users, items, user_table, item_table):
    users = users.astype(jnp.int32)
    items = items.astype(jnp.int32)
    return _scores_sc(users, items, user_table, item_table)

# --- scband reference (transcript-rebuilt; emitter-appended) ---
"""Pipeline reference for scband-bpr-mf-57423712747697 (READ-ONLY COPY).

The authoritative reference and input builder live on the scoring server;
editing this copy changes nothing except your own understanding.
"""

import jax, jax.numpy as jnp
import numpy as np

N_USER = 1000000
M_ITEM = 1000000
DIM = 64
BATCH = 16384

def setup_inputs(seed: int = 0) -> dict:
    key = jax.random.key(seed)
    k1, k2, k3, k4 = jax.random.split(key, 4)
    users = jax.random.randint(k1, (BATCH,), 0, N_USER, dtype=jnp.int64)
    items = jax.random.randint(k2, (BATCH,), 0, M_ITEM, dtype=jnp.int64)
    user_table = jax.random.normal(k3, (N_USER, DIM), dtype=jnp.float32) * 0.01
    item_table = jax.random.normal(k4, (M_ITEM, DIM), dtype=jnp.float32) * 0.01
    return {"users": users, "items": items, "user_table": user_table, "item_table": item_table}

def reference(users, items, user_table, item_table):
    users_emb = jnp.take(user_table, users, axis=0)
    items_emb = jnp.take(item_table, items, axis=0)
    scores = jnp.sum(users_emb * items_emb, axis=-1)
    return scores

if __name__ == "__main__":
    import jax
    _d = setup_inputs()
    print(jax.jit(kernel)(*tuple(_d.values())))

</pallas_src>

<mosaic_0001>
#map = affine_map<(d0, d1) -> (0)>
#map1 = affine_map<(d0, d1) -> (0, 0)>
module attributes {stable_mosaic.version = 14 : i64} {
  func.func @k(%arg0: i32, %arg1: i32, %arg2: memref<16384xi32, #tpu.memory_space<hbm>>, %arg3: memref<16384xi32, #tpu.memory_space<hbm>>, %arg4: memref<1000000x64xf32, #tpu.memory_space<hbm>>, %arg5: memref<1000000x64xf32, #tpu.memory_space<hbm>>, %arg6: memref<16384xf32, #tpu.memory_space<hbm>>, %arg7: memref<4x128xi32, #tpu.memory_space<vmem>>, %arg8: memref<4x128xi32, #tpu.memory_space<vmem>>, %arg9: memref<512x64xf32, #tpu.memory_space<vmem>>, %arg10: memref<512x64xf32, #tpu.memory_space<vmem>>, %arg11: memref<512xf32, #tpu.memory_space<vmem>>, %arg12: memref<4x!tpu.dma_semaphore, #tpu.memory_space<semaphore_mem>>) attributes {dimension_semantics = [#tpu.dimension_semantics<core_parallel>, #tpu.dimension_semantics<subcore_parallel>], iteration_bounds = array<i64: 2, 16>, scalar_prefetch = 0 : i64, scratch_operands = 6 : i64, tpu.core_type = #tpu.core_type<sc_vector_subcore>, window_params = [{transform_indices = #map}, {transform_indices = #map}, {transform_indices = #map1}, {transform_indices = #map1}, {transform_indices = #map}]} {
    %mul3A = arith.constant 2 : i32
    %mul3A_0 = arith.muli %arg1, %mul3A : i32
    %add3A = arith.addi %mul3A_0, %arg0 : i32
    %mul3A_1 = arith.constant 512 : i32
    %mul3A_2 = arith.muli %add3A, %mul3A_1 : i32
    %iota3A = tpu.iota {dimensions = array<i32: 0>} : vector<16xi32>
    %add3A_3 = arith.constant 0 : i32
    %add3A_4 = arith.addi %mul3A_2, %add3A_3 : i32
    %run_scoped3A = arith.constant 0 : i32
    "tpu.region"() ({
      %run_scoped3A_259 = tpu.sem_alloc : memref<!tpu.dma_semaphore, #tpu.memory_space<semaphore_mem>>
      %dma_start3A_260 = arith.constant 0 : i32
      %dma_start3A_261 = tpu.memref_slice %arg7[%run_scoped3A, %dma_start3A_260] : memref<4x128xi32, #tpu.memory_space<vmem>> -> memref<1x128xi32, #tpu.memory_space<vmem>>
      %dma_start3A_262 = tpu.memref_squeeze %dma_start3A_261 : memref<1x128xi32, #tpu.memory_space<vmem>> -> memref<128xi32, #tpu.memory_space<vmem>>
      %dma_start3A_263 = tpu.memref_slice %arg2[%add3A_4] : memref<16384xi32, #tpu.memory_space<hbm>> -> memref<128xi32, #tpu.memory_space<hbm>>
      %dma_start3A_264 = arith.constant 0 : i32
      %dma_start3A_265 = tpu.memref_slice %arg7[%run_scoped3A, %dma_start3A_264] : memref<4x128xi32, #tpu.memory_space<vmem>> -> memref<1x128xi32, #tpu.memory_space<vmem>>
      %dma_start3A_266 = tpu.memref_squeeze %dma_start3A_265 : memref<1x128xi32, #tpu.memory_space<vmem>> -> memref<128xi32, #tpu.memory_space<vmem>>
      %dma_start3A_267 = tpu.memref_slice %arg2[%add3A_4] : memref<16384xi32, #tpu.memory_space<hbm>> -> memref<128xi32, #tpu.memory_space<hbm>>
      tpu.enqueue_dma source(%dma_start3A_267 : memref<128xi32, #tpu.memory_space<hbm>>) target(%dma_start3A_266 : memref<128xi32, #tpu.memory_space<vmem>>) target_semaphore(%run_scoped3A_259 : memref<!tpu.dma_semaphore, #tpu.memory_space<semaphore_mem>>)
      %dma_wait3A_268 = arith.constant 0 : i32
      %dma_wait3A_269 = tpu.memref_slice %arg7[%run_scoped3A, %dma_wait3A_268] : memref<4x128xi32, #tpu.memory_space<vmem>> -> memref<1x128xi32, #tpu.memory_space<vmem>>
      %dma_wait3A_270 = tpu.memref_squeeze %dma_wait3A_269 : memref<1x128xi32, #tpu.memory_space<vmem>> -> memref<128xi32, #tpu.memory_space<vmem>>
      %dma_wait3A_271 = tpu.memref_slice %arg2[%add3A_4] : memref<16384xi32, #tpu.memory_space<hbm>> -> memref<128xi32, #tpu.memory_space<hbm>>
      %dma_wait3A_272 = arith.constant 0 : i32
      %dma_wait3A_273 = tpu.memref_slice %arg7[%run_scoped3A, %dma_wait3A_272] : memref<4x128xi32, #tpu.memory_space<vmem>> -> memref<1x128xi32, #tpu.memory_space<vmem>>
      %dma_wait3A_274 = tpu.memref_squeeze %dma_wait3A_273 : memref<1x128xi32, #tpu.memory_space<vmem>> -> memref<128xi32, #tpu.memory_space<vmem>>
      %dma_wait3A_275 = tpu.memref_slice %arg2[%add3A_4] : memref<16384xi32, #tpu.memory_space<hbm>> -> memref<128xi32, #tpu.memory_space<hbm>>
      tpu.wait_dma2 semaphore(%run_scoped3A_259 : memref<!tpu.dma_semaphore, #tpu.memory_space<semaphore_mem>>) src(%dma_wait3A_275 : memref<128xi32, #tpu.memory_space<hbm>>) dst(%dma_wait3A_274 : memref<128xi32, #tpu.memory_space<vmem>>)
      tpu.yield
    }) : () -> ()
    %add3A_5 = arith.constant 0 : i32
    %add3A_6 = arith.addi %mul3A_2, %add3A_5 : i32
    %run_scoped3A_7 = arith.constant 0 : i32
    "tpu.region"() ({
      %run_scoped3A_259 = tpu.sem_alloc : memref<!tpu.dma_semaphore, #tpu.memory_space<semaphore_mem>>
      %dma_start3A_260 = arith.constant 0 : i32
      %dma_start3A_261 = tpu.memref_slice %arg8[%run_scoped3A_7, %dma_start3A_260] : memref<4x128xi32, #tpu.memory_space<vmem>> -> memref<1x128xi32, #tpu.memory_space<vmem>>
      %dma_start3A_262 = tpu.memref_squeeze %dma_start3A_261 : memref<1x128xi32, #tpu.memory_space<vmem>> -> memref<128xi32, #tpu.memory_space<vmem>>
      %dma_start3A_263 = tpu.memref_slice %arg3[%add3A_6] : memref<16384xi32, #tpu.memory_space<hbm>> -> memref<128xi32, #tpu.memory_space<hbm>>
      %dma_start3A_264 = arith.constant 0 : i32
      %dma_start3A_265 = tpu.memref_slice %arg8[%run_scoped3A_7, %dma_start3A_264] : memref<4x128xi32, #tpu.memory_space<vmem>> -> memref<1x128xi32, #tpu.memory_space<vmem>>
      %dma_start3A_266 = tpu.memref_squeeze %dma_start3A_265 : memref<1x128xi32, #tpu.memory_space<vmem>> -> memref<128xi32, #tpu.memory_space<vmem>>
      %dma_start3A_267 = tpu.memref_slice %arg3[%add3A_6] : memref<16384xi32, #tpu.memory_space<hbm>> -> memref<128xi32, #tpu.memory_space<hbm>>
      tpu.enqueue_dma source(%dma_start3A_267 : memref<128xi32, #tpu.memory_space<hbm>>) target(%dma_start3A_266 : memref<128xi32, #tpu.memory_space<vmem>>) target_semaphore(%run_scoped3A_259 : memref<!tpu.dma_semaphore, #tpu.memory_space<semaphore_mem>>)
      %dma_wait3A_268 = arith.constant 0 : i32
      %dma_wait3A_269 = tpu.memref_slice %arg8[%run_scoped3A_7, %dma_wait3A_268] : memref<4x128xi32, #tpu.memory_space<vmem>> -> memref<1x128xi32, #tpu.memory_space<vmem>>
      %dma_wait3A_270 = tpu.memref_squeeze %dma_wait3A_269 : memref<1x128xi32, #tpu.memory_space<vmem>> -> memref<128xi32, #tpu.memory_space<vmem>>
      %dma_wait3A_271 = tpu.memref_slice %arg3[%add3A_6] : memref<16384xi32, #tpu.memory_space<hbm>> -> memref<128xi32, #tpu.memory_space<hbm>>
      %dma_wait3A_272 = arith.constant 0 : i32
      %dma_wait3A_273 = tpu.memref_slice %arg8[%run_scoped3A_7, %dma_wait3A_272] : memref<4x128xi32, #tpu.memory_space<vmem>> -> memref<1x128xi32, #tpu.memory_space<vmem>>
      %dma_wait3A_274 = tpu.memref_squeeze %dma_wait3A_273 : memref<1x128xi32, #tpu.memory_space<vmem>> -> memref<128xi32, #tpu.memory_space<vmem>>
      %dma_wait3A_275 = tpu.memref_slice %arg3[%add3A_6] : memref<16384xi32, #tpu.memory_space<hbm>> -> memref<128xi32, #tpu.memory_space<hbm>>
      tpu.wait_dma2 semaphore(%run_scoped3A_259 : memref<!tpu.dma_semaphore, #tpu.memory_space<semaphore_mem>>) src(%dma_wait3A_275 : memref<128xi32, #tpu.memory_space<hbm>>) dst(%dma_wait3A_274 : memref<128xi32, #tpu.memory_space<vmem>>)
      tpu.yield
    }) : () -> ()
    %add3A_8 = arith.constant 128 : i32
    %add3A_9 = arith.addi %mul3A_2, %add3A_8 : i32
    %run_scoped3A_10 = arith.constant 1 : i32
    "tpu.region"() ({
      %run_scoped3A_259 = tpu.sem_alloc : memref<!tpu.dma_semaphore, #tpu.memory_space<semaphore_mem>>
      %dma_start3A_260 = arith.constant 0 : i32
      %dma_start3A_261 = tpu.memref_slice %arg7[%run_scoped3A_10, %dma_start3A_260] : memref<4x128xi32, #tpu.memory_space<vmem>> -> memref<1x128xi32, #tpu.memory_space<vmem>>
      %dma_start3A_262 = tpu.memref_squeeze %dma_start3A_261 : memref<1x128xi32, #tpu.memory_space<vmem>> -> memref<128xi32, #tpu.memory_space<vmem>>
      %dma_start3A_263 = tpu.memref_slice %arg2[%add3A_9] : memref<16384xi32, #tpu.memory_space<hbm>> -> memref<128xi32, #tpu.memory_space<hbm>>
      %dma_start3A_264 = arith.constant 0 : i32
      %dma_start3A_265 = tpu.memref_slice %arg7[%run_scoped3A_10, %dma_start3A_264] : memref<4x128xi32, #tpu.memory_space<vmem>> -> memref<1x128xi32, #tpu.memory_space<vmem>>
      %dma_start3A_266 = tpu.memref_squeeze %dma_start3A_265 : memref<1x128xi32, #tpu.memory_space<vmem>> -> memref<128xi32, #tpu.memory_space<vmem>>
      %dma_start3A_267 = tpu.memref_slice %arg2[%add3A_9] : memref<16384xi32, #tpu.memory_space<hbm>> -> memref<128xi32, #tpu.memory_space<hbm>>
      tpu.enqueue_dma source(%dma_start3A_267 : memref<128xi32, #tpu.memory_space<hbm>>) target(%dma_start3A_266 : memref<128xi32, #tpu.memory_space<vmem>>) target_semaphore(%run_scoped3A_259 : memref<!tpu.dma_semaphore, #tpu.memory_space<semaphore_mem>>)
      %dma_wait3A_268 = arith.constant 0 : i32
      %dma_wait3A_269 = tpu.memref_slice %arg7[%run_scoped3A_10, %dma_wait3A_268] : memref<4x128xi32, #tpu.memory_space<vmem>> -> memref<1x128xi32, #tpu.memory_space<vmem>>
      %dma_wait3A_270 = tpu.memref_squeeze %dma_wait3A_269 : memref<1x128xi32, #tpu.memory_space<vmem>> -> memref<128xi32, #tpu.memory_space<vmem>>
      %dma_wait3A_271 = tpu.memref_slice %arg2[%add3A_9] : memref<16384xi32, #tpu.memory_space<hbm>> -> memref<128xi32, #tpu.memory_space<hbm>>
      %dma_wait3A_272 = arith.constant 0 : i32
      %dma_wait3A_273 = tpu.memref_slice %arg7[%run_scoped3A_10, %dma_wait3A_272] : memref<4x128xi32, #tpu.memory_space<vmem>> -> memref<1x128xi32, #tpu.memory_space<vmem>>
      %dma_wait3A_274 = tpu.memref_squeeze %dma_wait3A_273 : memref<1x128xi32, #tpu.memory_space<vmem>> -> memref<128xi32, #tpu.memory_space<vmem>>
      %dma_wait3A_275 = tpu.memref_slice %arg2[%add3A_9] : memref<16384xi32, #tpu.memory_space<hbm>> -> memref<128xi32, #tpu.memory_space<hbm>>
      tpu.wait_dma2 semaphore(%run_scoped3A_259 : memref<!tpu.dma_semaphore, #tpu.memory_space<semaphore_mem>>) src(%dma_wait3A_275 : memref<128xi32, #tpu.memory_space<hbm>>) dst(%dma_wait3A_274 : memref<128xi32, #tpu.memory_space<vmem>>)
      tpu.yield
    }) : () -> ()
    %add3A_11 = arith.constant 128 : i32
    %add3A_12 = arith.addi %mul3A_2, %add3A_11 : i32
    %run_scoped3A_13 = arith.constant 1 : i32
    "tpu.region"() ({
      %run_scoped3A_259 = tpu.sem_alloc : memref<!tpu.dma_semaphore, #tpu.memory_space<semaphore_mem>>
      %dma_start3A_260 = arith.constant 0 : i32
      %dma_start3A_261 = tpu.memref_slice %arg8[%run_scoped3A_13, %dma_start3A_260] : memref<4x128xi32, #tpu.memory_space<vmem>> -> memref<1x128xi32, #tpu.memory_space<vmem>>
      %dma_start3A_262 = tpu.memref_squeeze %dma_start3A_261 : memref<1x128xi32, #tpu.memory_space<vmem>> -> memref<128xi32, #tpu.memory_space<vmem>>
      %dma_start3A_263 = tpu.memref_slice %arg3[%add3A_12] : memref<16384xi32, #tpu.memory_space<hbm>> -> memref<128xi32, #tpu.memory_space<hbm>>
      %dma_start3A_264 = arith.constant 0 : i32
      %dma_start3A_265 = tpu.memref_slice %arg8[%run_scoped3A_13, %dma_start3A_264] : memref<4x128xi32, #tpu.memory_space<vmem>> -> memref<1x128xi32, #tpu.memory_space<vmem>>
      %dma_start3A_266 = tpu.memref_squeeze %dma_start3A_265 : memref<1x128xi32, #tpu.memory_space<vmem>> -> memref<128xi32, #tpu.memory_space<vmem>>
      %dma_start3A_267 = tpu.memref_slice %arg3[%add3A_12] : memref<16384xi32, #tpu.memory_space<hbm>> -> memref<128xi32, #tpu.memory_space<hbm>>
      tpu.enqueue_dma source(%dma_start3A_267 : memref<128xi32, #tpu.memory_space<hbm>>) target(%dma_start3A_266 : memref<128xi32, #tpu.memory_space<vmem>>) target_semaphore(%run_scoped3A_259 : memref<!tpu.dma_semaphore, #tpu.memory_space<semaphore_mem>>)
      %dma_wait3A_268 = arith.constant 0 : i32
      %dma_wait3A_269 = tpu.memref_slice %arg8[%run_scoped3A_13, %dma_wait3A_268] : memref<4x128xi32, #tpu.memory_space<vmem>> -> memref<1x128xi32, #tpu.memory_space<vmem>>
      %dma_wait3A_270 = tpu.memref_squeeze %dma_wait3A_269 : memref<1x128xi32, #tpu.memory_space<vmem>> -> memref<128xi32, #tpu.memory_space<vmem>>
      %dma_wait3A_271 = tpu.memref_slice %arg3[%add3A_12] : memref<16384xi32, #tpu.memory_space<hbm>> -> memref<128xi32, #tpu.memory_space<hbm>>
      %dma_wait3A_272 = arith.constant 0 : i32
      %dma_wait3A_273 = tpu.memref_slice %arg8[%run_scoped3A_13, %dma_wait3A_272] : memref<4x128xi32, #tpu.memory_space<vmem>> -> memref<1x128xi32, #tpu.memory_space<vmem>>
      %dma_wait3A_274 = tpu.memref_squeeze %dma_wait3A_273 : memref<1x128xi32, #tpu.memory_space<vmem>> -> memref<128xi32, #tpu.memory_space<vmem>>
      %dma_wait3A_275 = tpu.memref_slice %arg3[%add3A_12] : memref<16384xi32, #tpu.memory_space<hbm>> -> memref<128xi32, #tpu.memory_space<hbm>>
      tpu.wait_dma2 semaphore(%run_scoped3A_259 : memref<!tpu.dma_semaphore, #tpu.memory_space<semaphore_mem>>) src(%dma_wait3A_275 : memref<128xi32, #tpu.memory_space<hbm>>) dst(%dma_wait3A_274 : memref<128xi32, #tpu.memory_space<vmem>>)
      tpu.yield
    }) : () -> ()
    %add3A_14 = arith.constant 256 : i32
    %add3A_15 = arith.addi %mul3A_2, %add3A_14 : i32
    %run_scoped3A_16 = arith.constant 2 : i32
    "tpu.region"() ({
      %run_scoped3A_259 = tpu.sem_alloc : memref<!tpu.dma_semaphore, #tpu.memory_space<semaphore_mem>>
      %dma_start3A_260 = arith.constant 0 : i32
      %dma_start3A_261 = tpu.memref_slice %arg7[%run_scoped3A_16, %dma_start3A_260] : memref<4x128xi32, #tpu.memory_space<vmem>> -> memref<1x128xi32, #tpu.memory_space<vmem>>
      %dma_start3A_262 = tpu.memref_squeeze %dma_start3A_261 : memref<1x128xi32, #tpu.memory_space<vmem>> -> memref<128xi32, #tpu.memory_space<vmem>>
      %dma_start3A_263 = tpu.memref_slice %arg2[%add3A_15] : memref<16384xi32, #tpu.memory_space<hbm>> -> memref<128xi32, #tpu.memory_space<hbm>>
      %dma_start3A_264 = arith.constant 0 : i32
      %dma_start3A_265 = tpu.memref_slice %arg7[%run_scoped3A_16, %dma_start3A_264] : memref<4x128xi32, #tpu.memory_space<vmem>> -> memref<1x128xi32, #tpu.memory_space<vmem>>
      %dma_start3A_266 = tpu.memref_squeeze %dma_start3A_265 : memref<1x128xi32, #tpu.memory_space<vmem>> -> memref<128xi32, #tpu.memory_space<vmem>>
      %dma_start3A_267 = tpu.memref_slice %arg2[%add3A_15] : memref<16384xi32, #tpu.memory_space<hbm>> -> memref<128xi32, #tpu.memory_space<hbm>>
      tpu.enqueue_dma source(%dma_start3A_267 : memref<128xi32, #tpu.memory_space<hbm>>) target(%dma_start3A_266 : memref<128xi32, #tpu.memory_space<vmem>>) target_semaphore(%run_scoped3A_259 : memref<!tpu.dma_semaphore, #tpu.memory_space<semaphore_mem>>)
      %dma_wait3A_268 = arith.constant 0 : i32
      %dma_wait3A_269 = tpu.memref_slice %arg7[%run_scoped3A_16, %dma_wait3A_268] : memref<4x128xi32, #tpu.memory_space<vmem>> -> memref<1x128xi32, #tpu.memory_space<vmem>>
      %dma_wait3A_270 = tpu.memref_squeeze %dma_wait3A_269 : memref<1x128xi32, #tpu.memory_space<vmem>> -> memref<128xi32, #tpu.memory_space<vmem>>
      %dma_wait3A_271 = tpu.memref_slice %arg2[%add3A_15] : memref<16384xi32, #tpu.memory_space<hbm>> -> memref<128xi32, #tpu.memory_space<hbm>>
      %dma_wait3A_272 = arith.constant 0 : i32
      %dma_wait3A_273 = tpu.memref_slice %arg7[%run_scoped3A_16, %dma_wait3A_272] : memref<4x128xi32, #tpu.memory_space<vmem>> -> memref<1x128xi32, #tpu.memory_space<vmem>>
      %dma_wait3A_274 = tpu.memref_squeeze %dma_wait3A_273 : memref<1x128xi32, #tpu.memory_space<vmem>> -> memref<128xi32, #tpu.memory_space<vmem>>
      %dma_wait3A_275 = tpu.memref_slice %arg2[%add3A_15] : memref<16384xi32, #tpu.memory_space<hbm>> -> memref<128xi32, #tpu.memory_space<hbm>>
      tpu.wait_dma2 semaphore(%run_scoped3A_259 : memref<!tpu.dma_semaphore, #tpu.memory_space<semaphore_mem>>) src(%dma_wait3A_275 : memref<128xi32, #tpu.memory_space<hbm>>) dst(%dma_wait3A_274 : memref<128xi32, #tpu.memory_space<vmem>>)
      tpu.yield
    }) : () -> ()
    %add3A_17 = arith.constant 256 : i32
    %add3A_18 = arith.addi %mul3A_2, %add3A_17 : i32
    %run_scoped3A_19 = arith.constant 2 : i32
    "tpu.region"() ({
      %run_scoped3A_259 = tpu.sem_alloc : memref<!tpu.dma_semaphore, #tpu.memory_space<semaphore_mem>>
      %dma_start3A_260 = arith.constant 0 : i32
      %dma_start3A_261 = tpu.memref_slice %arg8[%run_scoped3A_19, %dma_start3A_260] : memref<4x128xi32, #tpu.memory_space<vmem>> -> memref<1x128xi32, #tpu.memory_space<vmem>>
      %dma_start3A_262 = tpu.memref_squeeze %dma_start3A_261 : memref<1x128xi32, #tpu.memory_space<vmem>> -> memref<128xi32, #tpu.memory_space<vmem>>
      %dma_start3A_263 = tpu.memref_slice %arg3[%add3A_18] : memref<16384xi32, #tpu.memory_space<hbm>> -> memref<128xi32, #tpu.memory_space<hbm>>
      %dma_start3A_264 = arith.constant 0 : i32
      %dma_start3A_265 = tpu.memref_slice %arg8[%run_scoped3A_19, %dma_start3A_264] : memref<4x128xi32, #tpu.memory_space<vmem>> -> memref<1x128xi32, #tpu.memory_space<vmem>>
      %dma_start3A_266 = tpu.memref_squeeze %dma_start3A_265 : memref<1x128xi32, #tpu.memory_space<vmem>> -> memref<128xi32, #tpu.memory_space<vmem>>
      %dma_start3A_267 = tpu.memref_slice %arg3[%add3A_18] : memref<16384xi32, #tpu.memory_space<hbm>> -> memref<128xi32, #tpu.memory_space<hbm>>
      tpu.enqueue_dma source(%dma_start3A_267 : memref<128xi32, #tpu.memory_space<hbm>>) target(%dma_start3A_266 : memref<128xi32, #tpu.memory_space<vmem>>) target_semaphore(%run_scoped3A_259 : memref<!tpu.dma_semaphore, #tpu.memory_space<semaphore_mem>>)
      %dma_wait3A_268 = arith.constant 0 : i32
      %dma_wait3A_269 = tpu.memref_slice %arg8[%run_scoped3A_19, %dma_wait3A_268] : memref<4x128xi32, #tpu.memory_space<vmem>> -> memref<1x128xi32, #tpu.memory_space<vmem>>
      %dma_wait3A_270 = tpu.memref_squeeze %dma_wait3A_269 : memref<1x128xi32, #tpu.memory_space<vmem>> -> memref<128xi32, #tpu.memory_space<vmem>>
      %dma_wait3A_271 = tpu.memref_slice %arg3[%add3A_18] : memref<16384xi32, #tpu.memory_space<hbm>> -> memref<128xi32, #tpu.memory_space<hbm>>
      %dma_wait3A_272 = arith.constant 0 : i32
      %dma_wait3A_273 = tpu.memref_slice %arg8[%run_scoped3A_19, %dma_wait3A_272] : memref<4x128xi32, #tpu.memory_space<vmem>> -> memref<1x128xi32, #tpu.memory_space<vmem>>
      %dma_wait3A_274 = tpu.memref_squeeze %dma_wait3A_273 : memref<1x128xi32, #tpu.memory_space<vmem>> -> memref<128xi32, #tpu.memory_space<vmem>>
      %dma_wait3A_275 = tpu.memref_slice %arg3[%add3A_18] : memref<16384xi32, #tpu.memory_space<hbm>> -> memref<128xi32, #tpu.memory_space<hbm>>
      tpu.wait_dma2 semaphore(%run_scoped3A_259 : memref<!tpu.dma_semaphore, #tpu.memory_space<semaphore_mem>>) src(%dma_wait3A_275 : memref<128xi32, #tpu.memory_space<hbm>>) dst(%dma_wait3A_274 : memref<128xi32, #tpu.memory_space<vmem>>)
      tpu.yield
    }) : () -> ()
    %add3A_20 = arith.constant 384 : i32
    %add3A_21 = arith.addi %mul3A_2, %add3A_20 : i32
    %run_scoped3A_22 = arith.constant 3 : i32
    "tpu.region"() ({
      %run_scoped3A_259 = tpu.sem_alloc : memref<!tpu.dma_semaphore, #tpu.memory_space<semaphore_mem>>
      %dma_start3A_260 = arith.constant 0 : i32
      %dma_start3A_261 = tpu.memref_slice %arg7[%run_scoped3A_22, %dma_start3A_260] : memref<4x128xi32, #tpu.memory_space<vmem>> -> memref<1x128xi32, #tpu.memory_space<vmem>>
      %dma_start3A_262 = tpu.memref_squeeze %dma_start3A_261 : memref<1x128xi32, #tpu.memory_space<vmem>> -> memref<128xi32, #tpu.memory_space<vmem>>
      %dma_start3A_263 = tpu.memref_slice %arg2[%add3A_21] : memref<16384xi32, #tpu.memory_space<hbm>> -> memref<128xi32, #tpu.memory_space<hbm>>
      %dma_start3A_264 = arith.constant 0 : i32
      %dma_start3A_265 = tpu.memref_slice %arg7[%run_scoped3A_22, %dma_start3A_264] : memref<4x128xi32, #tpu.memory_space<vmem>> -> memref<1x128xi32, #tpu.memory_space<vmem>>
      %dma_start3A_266 = tpu.memref_squeeze %dma_start3A_265 : memref<1x128xi32, #tpu.memory_space<vmem>> -> memref<128xi32, #tpu.memory_space<vmem>>
      %dma_start3A_267 = tpu.memref_slice %arg2[%add3A_21] : memref<16384xi32, #tpu.memory_space<hbm>> -> memref<128xi32, #tpu.memory_space<hbm>>
      tpu.enqueue_dma source(%dma_start3A_267 : memref<128xi32, #tpu.memory_space<hbm>>) target(%dma_start3A_266 : memref<128xi32, #tpu.memory_space<vmem>>) target_semaphore(%run_scoped3A_259 : memref<!tpu.dma_semaphore, #tpu.memory_space<semaphore_mem>>)
      %dma_wait3A_268 = arith.constant 0 : i32
      %dma_wait3A_269 = tpu.memref_slice %arg7[%run_scoped3A_22, %dma_wait3A_268] : memref<4x128xi32, #tpu.memory_space<vmem>> -> memref<1x128xi32, #tpu.memory_space<vmem>>
      %dma_wait3A_270 = tpu.memref_squeeze %dma_wait3A_269 : memref<1x128xi32, #tpu.memory_space<vmem>> -> memref<128xi32, #tpu.memory_space<vmem>>
      %dma_wait3A_271 = tpu.memref_slice %arg2[%add3A_21] : memref<16384xi32, #tpu.memory_space<hbm>> -> memref<128xi32, #tpu.memory_space<hbm>>
      %dma_wait3A_272 = arith.constant 0 : i32
      %dma_wait3A_273 = tpu.memref_slice %arg7[%run_scoped3A_22, %dma_wait3A_272] : memref<4x128xi32, #tpu.memory_space<vmem>> -> memref<1x128xi32, #tpu.memory_space<vmem>>
      %dma_wait3A_274 = tpu.memref_squeeze %dma_wait3A_273 : memref<1x128xi32, #tpu.memory_space<vmem>> -> memref<128xi32, #tpu.memory_space<vmem>>
      %dma_wait3A_275 = tpu.memref_slice %arg2[%add3A_21] : memref<16384xi32, #tpu.memory_space<hbm>> -> memref<128xi32, #tpu.memory_space<hbm>>
      tpu.wait_dma2 semaphore(%run_scoped3A_259 : memref<!tpu.dma_semaphore, #tpu.memory_space<semaphore_mem>>) src(%dma_wait3A_275 : memref<128xi32, #tpu.memory_space<hbm>>) dst(%dma_wait3A_274 : memref<128xi32, #tpu.memory_space<vmem>>)
      tpu.yield
    }) : () -> ()
    %add3A_23 = arith.constant 384 : i32
    %add3A_24 = arith.addi %mul3A_2, %add3A_23 : i32
    %run_scoped3A_25 = arith.constant 3 : i32
    "tpu.region"() ({
      %run_scoped3A_259 = tpu.sem_alloc : memref<!tpu.dma_semaphore, #tpu.memory_space<semaphore_mem>>
      %dma_start3A_260 = arith.constant 0 : i32
      %dma_start3A_261 = tpu.memref_slice %arg8[%run_scoped3A_25, %dma_start3A_260] : memref<4x128xi32, #tpu.memory_space<vmem>> -> memref<1x128xi32, #tpu.memory_space<vmem>>
      %dma_start3A_262 = tpu.memref_squeeze %dma_start3A_261 : memref<1x128xi32, #tpu.memory_space<vmem>> -> memref<128xi32, #tpu.memory_space<vmem>>
      %dma_start3A_263 = tpu.memref_slice %arg3[%add3A_24] : memref<16384xi32, #tpu.memory_space<hbm>> -> memref<128xi32, #tpu.memory_space<hbm>>
      %dma_start3A_264 = arith.constant 0 : i32
      %dma_start3A_265 = tpu.memref_slice %arg8[%run_scoped3A_25, %dma_start3A_264] : memref<4x128xi32, #tpu.memory_space<vmem>> -> memref<1x128xi32, #tpu.memory_space<vmem>>
      %dma_start3A_266 = tpu.memref_squeeze %dma_start3A_265 : memref<1x128xi32, #tpu.memory_space<vmem>> -> memref<128xi32, #tpu.memory_space<vmem>>
      %dma_start3A_267 = tpu.memref_slice %arg3[%add3A_24] : memref<16384xi32, #tpu.memory_space<hbm>> -> memref<128xi32, #tpu.memory_space<hbm>>
      tpu.enqueue_dma source(%dma_start3A_267 : memref<128xi32, #tpu.memory_space<hbm>>) target(%dma_start3A_266 : memref<128xi32, #tpu.memory_space<vmem>>) target_semaphore(%run_scoped3A_259 : memref<!tpu.dma_semaphore, #tpu.memory_space<semaphore_mem>>)
      %dma_wait3A_268 = arith.constant 0 : i32
      %dma_wait3A_269 = tpu.memref_slice %arg8[%run_scoped3A_25, %dma_wait3A_268] : memref<4x128xi32, #tpu.memory_space<vmem>> -> memref<1x128xi32, #tpu.memory_space<vmem>>
      %dma_wait3A_270 = tpu.memref_squeeze %dma_wait3A_269 : memref<1x128xi32, #tpu.memory_space<vmem>> -> memref<128xi32, #tpu.memory_space<vmem>>
      %dma_wait3A_271 = tpu.memref_slice %arg3[%add3A_24] : memref<16384xi32, #tpu.memory_space<hbm>> -> memref<128xi32, #tpu.memory_space<hbm>>
      %dma_wait3A_272 = arith.constant 0 : i32
      %dma_wait3A_273 = tpu.memref_slice %arg8[%run_scoped3A_25, %dma_wait3A_272] : memref<4x128xi32, #tpu.memory_space<vmem>> -> memref<1x128xi32, #tpu.memory_space<vmem>>
      %dma_wait3A_274 = tpu.memref_squeeze %dma_wait3A_273 : memref<1x128xi32, #tpu.memory_space<vmem>> -> memref<128xi32, #tpu.memory_space<vmem>>
      %dma_wait3A_275 = tpu.memref_slice %arg3[%add3A_24] : memref<16384xi32, #tpu.memory_space<hbm>> -> memref<128xi32, #tpu.memory_space<hbm>>
      tpu.wait_dma2 semaphore(%run_scoped3A_259 : memref<!tpu.dma_semaphore, #tpu.memory_space<semaphore_mem>>) src(%dma_wait3A_275 : memref<128xi32, #tpu.memory_space<hbm>>) dst(%dma_wait3A_274 : memref<128xi32, #tpu.memory_space<vmem>>)
      tpu.yield
    }) : () -> ()
    %dma_start3A = arith.constant 0 : i32
    %dma_start3A_26 = arith.constant 0 : i32
    %dma_start3A_27 = arith.constant 0 : i32
    %dma_start3A_28 = arith.constant 0 : i32
    %dma_start3A_29 = tpu.memref_slice %arg9[%dma_start3A_27, %dma_start3A_28] : memref<512x64xf32, #tpu.memory_space<vmem>> -> memref<128x64xf32, #tpu.memory_space<vmem>>
    %dma_start3A_30 = arith.constant 0 : i32
    %dma_start3A_31 = tpu.memref_slice %arg7[%dma_start3A, %dma_start3A_30] : memref<4x128xi32, #tpu.memory_space<vmem>> -> memref<1x128xi32, #tpu.memory_space<vmem>>
    %dma_start3A_32 = tpu.memref_squeeze %dma_start3A_31 : memref<1x128xi32, #tpu.memory_space<vmem>> -> memref<128xi32, #tpu.memory_space<vmem>>
    %dma_start3A_33 = arith.constant 0 : i32
    %dma_start3A_34 = arith.constant 0 : i32
    %dma_start3A_35 = tpu.memref_slice %arg4[%dma_start3A_33, %dma_start3A_34] : memref<1000000x64xf32, #tpu.memory_space<hbm>> -> memref<1000000x64xf32, #tpu.memory_space<hbm>>
    %dma_start3A_36 = tpu.memref_slice %arg12[%dma_start3A_26] : memref<4x!tpu.dma_semaphore, #tpu.memory_space<semaphore_mem>> -> memref<1x!tpu.dma_semaphore, #tpu.memory_space<semaphore_mem>>
    %dma_start3A_37 = tpu.memref_squeeze %dma_start3A_36 : memref<1x!tpu.dma_semaphore, #tpu.memory_space<semaphore_mem>> -> memref<!tpu.dma_semaphore, #tpu.memory_space<semaphore_mem>>
    tpu.enqueue_indirect_dma source(%dma_start3A_35 : memref<1000000x64xf32, #tpu.memory_space<hbm>>) target(%dma_start3A_29 : memref<128x64xf32, #tpu.memory_space<vmem>>) offsets(%dma_start3A_32 : memref<128xi32, #tpu.memory_space<vmem>>) semaphore(%dma_start3A_37 : memref<!tpu.dma_semaphore, #tpu.memory_space<semaphore_mem>>)
    %dma_start3A_38 = arith.constant 0 : i32
    %dma_start3A_39 = arith.constant 0 : i32
    %dma_start3A_40 = arith.constant 0 : i32
    %dma_start3A_41 = arith.constant 0 : i32
    %dma_start3A_42 = tpu.memref_slice %arg10[%dma_start3A_40, %dma_start3A_41] : memref<512x64xf32, #tpu.memory_space<vmem>> -> memref<128x64xf32, #tpu.memory_space<vmem>>
    %dma_start3A_43 = arith.constant 0 : i32
    %dma_start3A_44 = tpu.memref_slice %arg8[%dma_start3A_38, %dma_start3A_43] : memref<4x128xi32, #tpu.memory_space<vmem>> -> memref<1x128xi32, #tpu.memory_space<vmem>>
    %dma_start3A_45 = tpu.memref_squeeze %dma_start3A_44 : memref<1x128xi32, #tpu.memory_space<vmem>> -> memref<128xi32, #tpu.memory_space<vmem>>
    %dma_start3A_46 = arith.constant 0 : i32
    %dma_start3A_47 = arith.constant 0 : i32
    %dma_start3A_48 = tpu.memref_slice %arg5[%dma_start3A_46, %dma_start3A_47] : memref<1000000x64xf32, #tpu.memory_space<hbm>> -> memref<1000000x64xf32, #tpu.memory_space<hbm>>
    %dma_start3A_49 = tpu.memref_slice %arg12[%dma_start3A_39] : memref<4x!tpu.dma_semaphore, #tpu.memory_space<semaphore_mem>> -> memref<1x!tpu.dma_semaphore, #tpu.memory_space<semaphore_mem>>
    %dma_start3A_50 = tpu.memref_squeeze %dma_start3A_49 : memref<1x!tpu.dma_semaphore, #tpu.memory_space<semaphore_mem>> -> memref<!tpu.dma_semaphore, #tpu.memory_space<semaphore_mem>>
    tpu.enqueue_indirect_dma source(%dma_start3A_48 : memref<1000000x64xf32, #tpu.memory_space<hbm>>) target(%dma_start3A_42 : memref<128x64xf32, #tpu.memory_space<vmem>>) offsets(%dma_start3A_45 : memref<128xi32, #tpu.memory_space<vmem>>) semaphore(%dma_start3A_50 : memref<!tpu.dma_semaphore, #tpu.memory_space<semaphore_mem>>)
    %dma_start3A_51 = arith.constant 1 : i32
    %dma_start3A_52 = arith.constant 1 : i32
    %dma_start3A_53 = arith.constant 128 : i32
    %dma_start3A_54 = arith.constant 0 : i32
    %dma_start3A_55 = tpu.memref_slice %arg9[%dma_start3A_53, %dma_start3A_54] : memref<512x64xf32, #tpu.memory_space<vmem>> -> memref<128x64xf32, #tpu.memory_space<vmem>>
    %dma_start3A_56 = arith.constant 0 : i32
    %dma_start3A_57 = tpu.memref_slice %arg7[%dma_start3A_51, %dma_start3A_56] : memref<4x128xi32, #tpu.memory_space<vmem>> -> memref<1x128xi32, #tpu.memory_space<vmem>>
    %dma_start3A_58 = tpu.memref_squeeze %dma_start3A_57 : memref<1x128xi32, #tpu.memory_space<vmem>> -> memref<128xi32, #tpu.memory_space<vmem>>
    %dma_start3A_59 = arith.constant 0 : i32
    %dma_start3A_60 = arith.constant 0 : i32
    %dma_start3A_61 = tpu.memref_slice %arg4[%dma_start3A_59, %dma_start3A_60] : memref<1000000x64xf32, #tpu.memory_space<hbm>> -> memref<1000000x64xf32, #tpu.memory_space<hbm>>
    %dma_start3A_62 = tpu.memref_slice %arg12[%dma_start3A_52] : memref<4x!tpu.dma_semaphore, #tpu.memory_space<semaphore_mem>> -> memref<1x!tpu.dma_semaphore, #tpu.memory_space<semaphore_mem>>
    %dma_start3A_63 = tpu.memref_squeeze %dma_start3A_62 : memref<1x!tpu.dma_semaphore, #tpu.memory_space<semaphore_mem>> -> memref<!tpu.dma_semaphore, #tpu.memory_space<semaphore_mem>>
    tpu.enqueue_indirect_dma source(%dma_start3A_61 : memref<1000000x64xf32, #tpu.memory_space<hbm>>) target(%dma_start3A_55 : memref<128x64xf32, #tpu.memory_space<vmem>>) offsets(%dma_start3A_58 : memref<128xi32, #tpu.memory_space<vmem>>) semaphore(%dma_start3A_63 : memref<!tpu.dma_semaphore, #tpu.memory_space<semaphore_mem>>)
    %dma_start3A_64 = arith.constant 1 : i32
    %dma_start3A_65 = arith.constant 1 : i32
    %dma_start3A_66 = arith.constant 128 : i32
    %dma_start3A_67 = arith.constant 0 : i32
    %dma_start3A_68 = tpu.memref_slice %arg10[%dma_start3A_66, %dma_start3A_67] : memref<512x64xf32, #tpu.memory_space<vmem>> -> memref<128x64xf32, #tpu.memory_space<vmem>>
    %dma_start3A_69 = arith.constant 0 : i32
    %dma_start3A_70 = tpu.memref_slice %arg8[%dma_start3A_64, %dma_start3A_69] : memref<4x128xi32, #tpu.memory_space<vmem>> -> memref<1x128xi32, #tpu.memory_space<vmem>>
    %dma_start3A_71 = tpu.memref_squeeze %dma_start3A_70 : memref<1x128xi32, #tpu.memory_space<vmem>> -> memref<128xi32, #tpu.memory_space<vmem>>
    %dma_start3A_72 = arith.constant 0 : i32
    %dma_start3A_73 = arith.constant 0 : i32
    %dma_start3A_74 = tpu.memref_slice %arg5[%dma_start3A_72, %dma_start3A_73] : memref<1000000x64xf32, #tpu.memory_space<hbm>> -> memref<1000000x64xf32, #tpu.memory_space<hbm>>
    %dma_start3A_75 = tpu.memref_slice %arg12[%dma_start3A_65] : memref<4x!tpu.dma_semaphore, #tpu.memory_space<semaphore_mem>> -> memref<1x!tpu.dma_semaphore, #tpu.memory_space<semaphore_mem>>
    %dma_start3A_76 = tpu.memref_squeeze %dma_start3A_75 : memref<1x!tpu.dma_semaphore, #tpu.memory_space<semaphore_mem>> -> memref<!tpu.dma_semaphore, #tpu.memory_space<semaphore_mem>>
    tpu.enqueue_indirect_dma source(%dma_start3A_74 : memref<1000000x64xf32, #tpu.memory_space<hbm>>) target(%dma_start3A_68 : memref<128x64xf32, #tpu.memory_space<vmem>>) offsets(%dma_start3A_71 : memref<128xi32, #tpu.memory_space<vmem>>) semaphore(%dma_start3A_76 : memref<!tpu.dma_semaphore, #tpu.memory_space<semaphore_mem>>)
    %dma_start3A_77 = arith.constant 2 : i32
    %dma_start3A_78 = arith.constant 2 : i32
    %dma_start3A_79 = arith.constant 256 : i32
    %dma_start3A_80 = arith.constant 0 : i32
    %dma_start3A_81 = tpu.memref_slice %arg9[%dma_start3A_79, %dma_start3A_80] : memref<512x64xf32, #tpu.memory_space<vmem>> -> memref<128x64xf32, #tpu.memory_space<vmem>>
    %dma_start3A_82 = arith.constant 0 : i32
    %dma_start3A_83 = tpu.memref_slice %arg7[%dma_start3A_77, %dma_start3A_82] : memref<4x128xi32, #tpu.memory_space<vmem>> -> memref<1x128xi32, #tpu.memory_space<vmem>>
    %dma_start3A_84 = tpu.memref_squeeze %dma_start3A_83 : memref<1x128xi32, #tpu.memory_space<vmem>> -> memref<128xi32, #tpu.memory_space<vmem>>
    %dma_start3A_85 = arith.constant 0 : i32
    %dma_start3A_86 = arith.constant 0 : i32
    %dma_start3A_87 = tpu.memref_slice %arg4[%dma_start3A_85, %dma_start3A_86] : memref<1000000x64xf32, #tpu.memory_space<hbm>> -> memref<1000000x64xf32, #tpu.memory_space<hbm>>
    %dma_start3A_88 = tpu.memref_slice %arg12[%dma_start3A_78] : memref<4x!tpu.dma_semaphore, #tpu.memory_space<semaphore_mem>> -> memref<1x!tpu.dma_semaphore, #tpu.memory_space<semaphore_mem>>
    %dma_start3A_89 = tpu.memref_squeeze %dma_start3A_88 : memref<1x!tpu.dma_semaphore, #tpu.memory_space<semaphore_mem>> -> memref<!tpu.dma_semaphore, #tpu.memory_space<semaphore_mem>>
    tpu.enqueue_indirect_dma source(%dma_start3A_87 : memref<1000000x64xf32, #tpu.memory_space<hbm>>) target(%dma_start3A_81 : memref<128x64xf32, #tpu.memory_space<vmem>>) offsets(%dma_start3A_84 : memref<128xi32, #tpu.memory_space<vmem>>) semaphore(%dma_start3A_89 : memref<!tpu.dma_semaphore, #tpu.memory_space<semaphore_mem>>)
    %dma_start3A_90 = arith.constant 2 : i32
    %dma_start3A_91 = arith.constant 2 : i32
    %dma_start3A_92 = arith.constant 256 : i32
    %dma_start3A_93 = arith.constant 0 : i32
    %dma_start3A_94 = tpu.memref_slice %arg10[%dma_start3A_92, %dma_start3A_93] : memref<512x64xf32, #tpu.memory_space<vmem>> -> memref<128x64xf32, #tpu.memory_space<vmem>>
    %dma_start3A_95 = arith.constant 0 : i32
    %dma_start3A_96 = tpu.memref_slice %arg8[%dma_start3A_90, %dma_start3A_95] : memref<4x128xi32, #tpu.memory_space<vmem>> -> memref<1x128xi32, #tpu.memory_space<vmem>>
    %dma_start3A_97 = tpu.memref_squeeze %dma_start3A_96 : memref<1x128xi32, #tpu.memory_space<vmem>> -> memref<128xi32, #tpu.memory_space<vmem>>
    %dma_start3A_98 = arith.constant 0 : i32
    %dma_start3A_99 = arith.constant 0 : i32
    %dma_start3A_100 = tpu.memref_slice %arg5[%dma_start3A_98, %dma_start3A_99] : memref<1000000x64xf32, #tpu.memory_space<hbm>> -> memref<1000000x64xf32, #tpu.memory_space<hbm>>
    %dma_start3A_101 = tpu.memref_slice %arg12[%dma_start3A_91] : memref<4x!tpu.dma_semaphore, #tpu.memory_space<semaphore_mem>> -> memref<1x!tpu.dma_semaphore, #tpu.memory_space<semaphore_mem>>
    %dma_start3A_102 = tpu.memref_squeeze %dma_start3A_101 : memref<1x!tpu.dma_semaphore, #tpu.memory_space<semaphore_mem>> -> memref<!tpu.dma_semaphore, #tpu.memory_space<semaphore_mem>>
    tpu.enqueue_indirect_dma source(%dma_start3A_100 : memref<1000000x64xf32, #tpu.memory_space<hbm>>) target(%dma_start3A_94 : memref<128x64xf32, #tpu.memory_space<vmem>>) offsets(%dma_start3A_97 : memref<128xi32, #tpu.memory_space<vmem>>) semaphore(%dma_start3A_102 : memref<!tpu.dma_semaphore, #tpu.memory_space<semaphore_mem>>)
    %dma_start3A_103 = arith.constant 3 : i32
    %dma_start3A_104 = arith.constant 3 : i32
    %dma_start3A_105 = arith.constant 384 : i32
    %dma_start3A_106 = arith.constant 0 : i32
    %dma_start3A_107 = tpu.memref_slice %arg9[%dma_start3A_105, %dma_start3A_106] : memref<512x64xf32, #tpu.memory_space<vmem>> -> memref<128x64xf32, #tpu.memory_space<vmem>>
    %dma_start3A_108 = arith.constant 0 : i32
    %dma_start3A_109 = tpu.memref_slice %arg7[%dma_start3A_103, %dma_start3A_108] : memref<4x128xi32, #tpu.memory_space<vmem>> -> memref<1x128xi32, #tpu.memory_space<vmem>>
    %dma_start3A_110 = tpu.memref_squeeze %dma_start3A_109 : memref<1x128xi32, #tpu.memory_space<vmem>> -> memref<128xi32, #tpu.memory_space<vmem>>
    %dma_start3A_111 = arith.constant 0 : i32
    %dma_start3A_112 = arith.constant 0 : i32
    %dma_start3A_113 = tpu.memref_slice %arg4[%dma_start3A_111, %dma_start3A_112] : memref<1000000x64xf32, #tpu.memory_space<hbm>> -> memref<1000000x64xf32, #tpu.memory_space<hbm>>
    %dma_start3A_114 = tpu.memref_slice %arg12[%dma_start3A_104] : memref<4x!tpu.dma_semaphore, #tpu.memory_space<semaphore_mem>> -> memref<1x!tpu.dma_semaphore, #tpu.memory_space<semaphore_mem>>
    %dma_start3A_115 = tpu.memref_squeeze %dma_start3A_114 : memref<1x!tpu.dma_semaphore, #tpu.memory_space<semaphore_mem>> -> memref<!tpu.dma_semaphore, #tpu.memory_space<semaphore_mem>>
    tpu.enqueue_indirect_dma source(%dma_start3A_113 : memref<1000000x64xf32, #tpu.memory_space<hbm>>) target(%dma_start3A_107 : memref<128x64xf32, #tpu.memory_space<vmem>>) offsets(%dma_start3A_110 : memref<128xi32, #tpu.memory_space<vmem>>) semaphore(%dma_start3A_115 : memref<!tpu.dma_semaphore, #tpu.memory_space<semaphore_mem>>)
    %dma_start3A_116 = arith.constant 3 : i32
    %dma_start3A_117 = arith.constant 3 : i32
    %dma_start3A_118 = arith.constant 384 : i32
    %dma_start3A_119 = arith.constant 0 : i32
    %dma_start3A_120 = tpu.memref_slice %arg10[%dma_start3A_118, %dma_start3A_119] : memref<512x64xf32, #tpu.memory_space<vmem>> -> memref<128x64xf32, #tpu.memory_space<vmem>>
    %dma_start3A_121 = arith.constant 0 : i32
    %dma_start3A_122 = tpu.memref_slice %arg8[%dma_start3A_116, %dma_start3A_121] : memref<4x128xi32, #tpu.memory_space<vmem>> -> memref<1x128xi32, #tpu.memory_space<vmem>>
    %dma_start3A_123 = tpu.memref_squeeze %dma_start3A_122 : memref<1x128xi32, #tpu.memory_space<vmem>> -> memref<128xi32, #tpu.memory_space<vmem>>
    %dma_start3A_124 = arith.constant 0 : i32
    %dma_start3A_125 = arith.constant 0 : i32
    %dma_start3A_126 = tpu.memref_slice %arg5[%dma_start3A_124, %dma_start3A_125] : memref<1000000x64xf32, #tpu.memory_space<hbm>> -> memref<1000000x64xf32, #tpu.memory_space<hbm>>
    %dma_start3A_127 = tpu.memref_slice %arg12[%dma_start3A_117] : memref<4x!tpu.dma_semaphore, #tpu.memory_space<semaphore_mem>> -> memref<1x!tpu.dma_semaphore, #tpu.memory_space<semaphore_mem>>
    %dma_start3A_128 = tpu.memref_squeeze %dma_start3A_127 : memref<1x!tpu.dma_semaphore, #tpu.memory_space<semaphore_mem>> -> memref<!tpu.dma_semaphore, #tpu.memory_space<semaphore_mem>>
    tpu.enqueue_indirect_dma source(%dma_start3A_126 : memref<1000000x64xf32, #tpu.memory_space<hbm>>) target(%dma_start3A_120 : memref<128x64xf32, #tpu.memory_space<vmem>>) offsets(%dma_start3A_123 : memref<128xi32, #tpu.memory_space<vmem>>) semaphore(%dma_start3A_128 : memref<!tpu.dma_semaphore, #tpu.memory_space<semaphore_mem>>)
    %dma_wait3A = arith.constant 0 : i32
    %dma_wait3A_129 = arith.constant 0 : i32
    %dma_wait3A_130 = arith.constant 0 : i32
    %dma_wait3A_131 = arith.constant 0 : i32
    %dma_wait3A_132 = tpu.memref_slice %arg9[%dma_wait3A_130, %dma_wait3A_131] : memref<512x64xf32, #tpu.memory_space<vmem>> -> memref<128x64xf32, #tpu.memory_space<vmem>>
    %dma_wait3A_133 = arith.constant 0 : i32
    %dma_wait3A_134 = tpu.memref_slice %arg7[%dma_wait3A, %dma_wait3A_133] : memref<4x128xi32, #tpu.memory_space<vmem>> -> memref<1x128xi32, #tpu.memory_space<vmem>>
    %dma_wait3A_135 = tpu.memref_squeeze %dma_wait3A_134 : memref<1x128xi32, #tpu.memory_space<vmem>> -> memref<128xi32, #tpu.memory_space<vmem>>
    %dma_wait3A_136 = arith.constant 0 : i32
    %dma_wait3A_137 = arith.constant 0 : i32
    %dma_wait3A_138 = tpu.memref_slice %arg4[%dma_wait3A_136, %dma_wait3A_137] : memref<1000000x64xf32, #tpu.memory_space<hbm>> -> memref<1000000x64xf32, #tpu.memory_space<hbm>>
    %dma_wait3A_139 = tpu.memref_slice %arg12[%dma_wait3A_129] : memref<4x!tpu.dma_semaphore, #tpu.memory_space<semaphore_mem>> -> memref<1x!tpu.dma_semaphore, #tpu.memory_space<semaphore_mem>>
    %dma_wait3A_140 = tpu.memref_squeeze %dma_wait3A_139 : memref<1x!tpu.dma_semaphore, #tpu.memory_space<semaphore_mem>> -> memref<!tpu.dma_semaphore, #tpu.memory_space<semaphore_mem>>
    tpu.wait_indirect_dma semaphore(%dma_wait3A_140 : memref<!tpu.dma_semaphore, #tpu.memory_space<semaphore_mem>>) src(%dma_wait3A_138 : memref<1000000x64xf32, #tpu.memory_space<hbm>>) dst(%dma_wait3A_132 : memref<128x64xf32, #tpu.memory_space<vmem>>)
    %dma_wait3A_141 = arith.constant 0 : i32
    %dma_wait3A_142 = arith.constant 0 : i32
    %dma_wait3A_143 = arith.constant 0 : i32
    %dma_wait3A_144 = arith.constant 0 : i32
    %dma_wait3A_145 = tpu.memref_slice %arg10[%dma_wait3A_143, %dma_wait3A_144] : memref<512x64xf32, #tpu.memory_space<vmem>> -> memref<128x64xf32, #tpu.memory_space<vmem>>
    %dma_wait3A_146 = arith.constant 0 : i32
    %dma_wait3A_147 = tpu.memref_slice %arg8[%dma_wait3A_141, %dma_wait3A_146] : memref<4x128xi32, #tpu.memory_space<vmem>> -> memref<1x128xi32, #tpu.memory_space<vmem>>
    %dma_wait3A_148 = tpu.memref_squeeze %dma_wait3A_147 : memref<1x128xi32, #tpu.memory_space<vmem>> -> memref<128xi32, #tpu.memory_space<vmem>>
    %dma_wait3A_149 = arith.constant 0 : i32
    %dma_wait3A_150 = arith.constant 0 : i32
    %dma_wait3A_151 = tpu.memref_slice %arg5[%dma_wait3A_149, %dma_wait3A_150] : memref<1000000x64xf32, #tpu.memory_space<hbm>> -> memref<1000000x64xf32, #tpu.memory_space<hbm>>
    %dma_wait3A_152 = tpu.memref_slice %arg12[%dma_wait3A_142] : memref<4x!tpu.dma_semaphore, #tpu.memory_space<semaphore_mem>> -> memref<1x!tpu.dma_semaphore, #tpu.memory_space<semaphore_mem>>
    %dma_wait3A_153 = tpu.memref_squeeze %dma_wait3A_152 : memref<1x!tpu.dma_semaphore, #tpu.memory_space<semaphore_mem>> -> memref<!tpu.dma_semaphore, #tpu.memory_space<semaphore_mem>>
    tpu.wait_indirect_dma semaphore(%dma_wait3A_153 : memref<!tpu.dma_semaphore, #tpu.memory_space<semaphore_mem>>) src(%dma_wait3A_151 : memref<1000000x64xf32, #tpu.memory_space<hbm>>) dst(%dma_wait3A_145 : memref<128x64xf32, #tpu.memory_space<vmem>>)
    %scan3A = arith.constant 0 : i32
    %scan3A_154 = arith.constant 0 : i32
    %scan3A_155 = arith.constant 8 : i32
    %scan3A_156 = arith.addi %scan3A_154, %scan3A_155 : i32
    %scan3A_157 = arith.constant 1 : i32
    %scan3A_158 = scf.for %scan3A_259 = %scan3A_154 to %scan3A_156 step %scan3A_157 iter_args(%scan3A_260 = %scan3A) -> (i32)  : i32 {
      %mul3A_261 = arith.constant 16 : i32
      %mul3A_262 = arith.muli %scan3A_259, %mul3A_261 : i32
      %add3A_263 = arith.constant 0 : i32
      %add3A_264 = arith.addi %add3A_263, %mul3A_262 : i32
      %add3A_265 = vector.broadcast %add3A_264 : i32 to vector<16xi32>
      %add3A_266 = arith.addi %add3A_265, %iota3A : vector<16xi32>
      %broadcast_in_dim3A = arith.constant 0.000000e+00 : f32
      %broadcast_in_dim3A_267 = vector.broadcast %broadcast_in_dim3A : f32 to vector<16xf32>
      %scan3A_268 = arith.constant 0 : i32
      %scan3A_269 = arith.constant 8 : i32
      %scan3A_270 = arith.addi %scan3A_268, %scan3A_269 : i32
      %scan3A_271 = arith.constant 1 : i32
      %scan3A_272:2 = scf.for %scan3A_277 = %scan3A_268 to %scan3A_270 step %scan3A_271 iter_args(%scan3A_278 = %broadcast_in_dim3A_267, %scan3A_279 = %broadcast_in_dim3A_267) -> (vector<16xf32>, vector<16xf32>)  : i32 {
        %mul3A_280 = arith.constant 8 : i32
        %mul3A_281 = arith.muli %scan3A_277, %mul3A_280 : i32
        %add3A_282 = arith.constant 0 : i32
        %add3A_283 = arith.addi %mul3A_281, %add3A_282 : i32
        %broadcast_in_dim3A_284 = vector.broadcast %add3A_283 : i32 to vector<16xi32>
        %gather3A = tpu.vector_load_idx %arg9[%add3A_266, %broadcast_in_dim3A_284] : memref<512x64xf32, #tpu.memory_space<vmem>>[vector<16xi32>, vector<16xi32>], vector<16xf32>,
        %gather3A_285 = tpu.vector_load_idx %arg10[%add3A_266, %broadcast_in_dim3A_284] : memref<512x64xf32, #tpu.memory_space<vmem>>[vector<16xi32>, vector<16xi32>], vector<16xf32>,
        %mul3A_286 = arith.mulf %gather3A, %gather3A_285 : vector<16xf32>
        %add3A_287 = arith.addf %scan3A_278, %mul3A_286 : vector<16xf32>
        %add3A_288 = arith.constant 1 : i32
        %add3A_289 = arith.addi %mul3A_281, %add3A_288 : i32
        %broadcast_in_dim3A_290 = vector.broadcast %add3A_289 : i32 to vector<16xi32>
        %gather3A_291 = tpu.vector_load_idx %arg9[%add3A_266, %broadcast_in_dim3A_290] : memref<512x64xf32, #tpu.memory_space<vmem>>[vector<16xi32>, vector<16xi32>], vector<16xf32>,
        %gather3A_292 = tpu.vector_load_idx %arg10[%add3A_266, %broadcast_in_dim3A_290] : memref<512x64xf32, #tpu.memory_space<vmem>>[vector<16xi32>, vector<16xi32>], vector<16xf32>,
        %mul3A_293 = arith.mulf %gather3A_291, %gather3A_292 : vector<16xf32>
        %add3A_294 = arith.addf %scan3A_279, %mul3A_293 : vector<16xf32>
        %add3A_295 = arith.constant 2 : i32
        %add3A_296 = arith.addi %mul3A_281, %add3A_295 : i32
        %broadcast_in_dim3A_297 = vector.broadcast %add3A_296 : i32 to vector<16xi32>
        %gather3A_298 = tpu.vector_load_idx %arg9[%add3A_266, %broadcast_in_dim3A_297] : memref<512x64xf32, #tpu.memory_space<vmem>>[vector<16xi32>, vector<16xi32>], vector<16xf32>,
        %gather3A_299 = tpu.vector_load_idx %arg10[%add3A_266, %broadcast_in_dim3A_297] : memref<512x64xf32, #tpu.memory_space<vmem>>[vector<16xi32>, vector<16xi32>], vector<16xf32>,
        %mul3A_300 = arith.mulf %gather3A_298, %gather3A_299 : vector<16xf32>
        %add3A_301 = arith.addf %add3A_287, %mul3A_300 : vector<16xf32>
        %add3A_302 = arith.constant 3 : i32
        %add3A_303 = arith.addi %mul3A_281, %add3A_302 : i32
        %broadcast_in_dim3A_304 = vector.broadcast %add3A_303 : i32 to vector<16xi32>
        %gather3A_305 = tpu.vector_load_idx %arg9[%add3A_266, %broadcast_in_dim3A_304] : memref<512x64xf32, #tpu.memory_space<vmem>>[vector<16xi32>, vector<16xi32>], vector<16xf32>,
        %gather3A_306 = tpu.vector_load_idx %arg10[%add3A_266, %broadcast_in_dim3A_304] : memref<512x64xf32, #tpu.memory_space<vmem>>[vector<16xi32>, vector<16xi32>], vector<16xf32>,
        %mul3A_307 = arith.mulf %gather3A_305, %gather3A_306 : vector<16xf32>
        %add3A_308 = arith.addf %add3A_294, %mul3A_307 : vector<16xf32>
        %add3A_309 = arith.constant 4 : i32
        %add3A_310 = arith.addi %mul3A_281, %add3A_309 : i32
        %broadcast_in_dim3A_311 = vector.broadcast %add3A_310 : i32 to vector<16xi32>
        %gather3A_312 = tpu.vector_load_idx %arg9[%add3A_266, %broadcast_in_dim3A_311] : memref<512x64xf32, #tpu.memory_space<vmem>>[vector<16xi32>, vector<16xi32>], vector<16xf32>,
        %gather3A_313 = tpu.vector_load_idx %arg10[%add3A_266, %broadcast_in_dim3A_311] : memref<512x64xf32, #tpu.memory_space<vmem>>[vector<16xi32>, vector<16xi32>], vector<16xf32>,
        %mul3A_314 = arith.mulf %gather3A_312, %gather3A_313 : vector<16xf32>
        %add3A_315 = arith.addf %add3A_301, %mul3A_314 : vector<16xf32>
        %add3A_316 = arith.constant 5 : i32
        %add3A_317 = arith.addi %mul3A_281, %add3A_316 : i32
        %broadcast_in_dim3A_318 = vector.broadcast %add3A_317 : i32 to vector<16xi32>
        %gather3A_319 = tpu.vector_load_idx %arg9[%add3A_266, %broadcast_in_dim3A_318] : memref<512x64xf32, #tpu.memory_space<vmem>>[vector<16xi32>, vector<16xi32>], vector<16xf32>,
        %gather3A_320 = tpu.vector_load_idx %arg10[%add3A_266, %broadcast_in_dim3A_318] : memref<512x64xf32, #tpu.memory_space<vmem>>[vector<16xi32>, vector<16xi32>], vector<16xf32>,
        %mul3A_321 = arith.mulf %gather3A_319, %gather3A_320 : vector<16xf32>
        %add3A_322 = arith.addf %add3A_308, %mul3A_321 : vector<16xf32>
        %add3A_323 = arith.constant 6 : i32
        %add3A_324 = arith.addi %mul3A_281, %add3A_323 : i32
        %broadcast_in_dim3A_325 = vector.broadcast %add3A_324 : i32 to vector<16xi32>
        %gather3A_326 = tpu.vector_load_idx %arg9[%add3A_266, %broadcast_in_dim3A_325] : memref<512x64xf32, #tpu.memory_space<vmem>>[vector<16xi32>, vector<16xi32>], vector<16xf32>,
        %gather3A_327 = tpu.vector_load_idx %arg10[%add3A_266, %broadcast_in_dim3A_325] : memref<512x64xf32, #tpu.memory_space<vmem>>[vector<16xi32>, vector<16xi32>], vector<16xf32>,
        %mul3A_328 = arith.mulf %gather3A_326, %gather3A_327 : vector<16xf32>
        %add3A_329 = arith.addf %add3A_315, %mul3A_328 : vector<16xf32>
        %add3A_330 = arith.constant 7 : i32
        %add3A_331 = arith.addi %mul3A_281, %add3A_330 : i32
        %broadcast_in_dim3A_332 = vector.broadcast %add3A_331 : i32 to vector<16xi32>
        %gather3A_333 = tpu.vector_load_idx %arg9[%add3A_266, %broadcast_in_dim3A_332] : memref<512x64xf32, #tpu.memory_space<vmem>>[vector<16xi32>, vector<16xi32>], vector<16xf32>,
        %gather3A_334 = tpu.vector_load_idx %arg10[%add3A_266, %broadcast_in_dim3A_332] : memref<512x64xf32, #tpu.memory_space<vmem>>[vector<16xi32>, vector<16xi32>], vector<16xf32>,
        %mul3A_335 = arith.mulf %gather3A_333, %gather3A_334 : vector<16xf32>
        %add3A_336 = arith.addf %add3A_322, %mul3A_335 : vector<16xf32>
        scf.yield %add3A_329, %add3A_336 : vector<16xf32>, vector<16xf32>
      }
      %scan3A_273 = arith.constant 8 : i32
      %add3A_274 = arith.addf %scan3A_272#0, %scan3A_272#1 : vector<16xf32>
      %swap3A = arith.index_cast %add3A_264 : i32 to index
      %swap3A_275 = tpu.vector_load %arg11[%swap3A] {strides = array<i32>} : memref<512xf32, #tpu.memory_space<vmem>>, vector<16xf32>,
      tpu.vector_store %arg11[%swap3A], %add3A_274 {strides = array<i32>} : memref<512xf32, #tpu.memory_space<vmem>>, vector<16xf32>,
      %scan3A_276 = arith.constant 0 : i32
      scf.yield %scan3A_276 : i32
    }
    %scan3A_159 = arith.constant 8 : i32
    %dma_wait3A_160 = arith.constant 1 : i32
    %dma_wait3A_161 = arith.constant 1 : i32
    %dma_wait3A_162 = arith.constant 128 : i32
    %dma_wait3A_163 = arith.constant 0 : i32
    %dma_wait3A_164 = tpu.memref_slice %arg9[%dma_wait3A_162, %dma_wait3A_163] : memref<512x64xf32, #tpu.memory_space<vmem>> -> memref<128x64xf32, #tpu.memory_space<vmem>>
    %dma_wait3A_165 = arith.constant 0 : i32
    %dma_wait3A_166 = tpu.memref_slice %arg7[%dma_wait3A_160, %dma_wait3A_165] : memref<4x128xi32, #tpu.memory_space<vmem>> -> memref<1x128xi32, #tpu.memory_space<vmem>>
    %dma_wait3A_167 = tpu.memref_squeeze %dma_wait3A_166 : memref<1x128xi32, #tpu.memory_space<vmem>> -> memref<128xi32, #tpu.memory_space<vmem>>
    %dma_wait3A_168 = arith.constant 0 : i32
    %dma_wait3A_169 = arith.constant 0 : i32
    %dma_wait3A_170 = tpu.memref_slice %arg4[%dma_wait3A_168, %dma_wait3A_169] : memref<1000000x64xf32, #tpu.memory_space<hbm>> -> memref<1000000x64xf32, #tpu.memory_space<hbm>>
    %dma_wait3A_171 = tpu.memref_slice %arg12[%dma_wait3A_161] : memref<4x!tpu.dma_semaphore, #tpu.memory_space<semaphore_mem>> -> memref<1x!tpu.dma_semaphore, #tpu.memory_space<semaphore_mem>>
    %dma_wait3A_172 = tpu.memref_squeeze %dma_wait3A_171 : memref<1x!tpu.dma_semaphore, #tpu.memory_space<semaphore_mem>> -> memref<!tpu.dma_semaphore, #tpu.memory_space<semaphore_mem>>
    tpu.wait_indirect_dma semaphore(%dma_wait3A_172 : memref<!tpu.dma_semaphore, #tpu.memory_space<semaphore_mem>>) src(%dma_wait3A_170 : memref<1000000x64xf32, #tpu.memory_space<hbm>>) dst(%dma_wait3A_164 : memref<128x64xf32, #tpu.memory_space<vmem>>)
    %dma_wait3A_173 = arith.constant 1 : i32
    %dma_wait3A_174 = arith.constant 1 : i32
    %dma_wait3A_175 = arith.constant 128 : i32
    %dma_wait3A_176 = arith.constant 0 : i32
    %dma_wait3A_177 = tpu.memref_slice %arg10[%dma_wait3A_175, %dma_wait3A_176] : memref<512x64xf32, #tpu.memory_space<vmem>> -> memref<128x64xf32, #tpu.memory_space<vmem>>
    %dma_wait3A_178 = arith.constant 0 : i32
    %dma_wait3A_179 = tpu.memref_slice %arg8[%dma_wait3A_173, %dma_wait3A_178] : memref<4x128xi32, #tpu.memory_space<vmem>> -> memref<1x128xi32, #tpu.memory_space<vmem>>
    %dma_wait3A_180 = tpu.memref_squeeze %dma_wait3A_179 : memref<1x128xi32, #tpu.memory_space<vmem>> -> memref<128xi32, #tpu.memory_space<vmem>>
    %dma_wait3A_181 = arith.constant 0 : i32
    %dma_wait3A_182 = arith.constant 0 : i32
    %dma_wait3A_183 = tpu.memref_slice %arg5[%dma_wait3A_181, %dma_wait3A_182] : memref<1000000x64xf32, #tpu.memory_space<hbm>> -> memref<1000000x64xf32, #tpu.memory_space<hbm>>
    %dma_wait3A_184 = tpu.memref_slice %arg12[%dma_wait3A_174] : memref<4x!tpu.dma_semaphore, #tpu.memory_space<semaphore_mem>> -> memref<1x!tpu.dma_semaphore, #tpu.memory_space<semaphore_mem>>
    %dma_wait3A_185 = tpu.memref_squeeze %dma_wait3A_184 : memref<1x!tpu.dma_semaphore, #tpu.memory_space<semaphore_mem>> -> memref<!tpu.dma_semaphore, #tpu.memory_space<semaphore_mem>>
    tpu.wait_indirect_dma semaphore(%dma_wait3A_185 : memref<!tpu.dma_semaphore, #tpu.memory_space<semaphore_mem>>) src(%dma_wait3A_183 : memref<1000000x64xf32, #tpu.memory_space<hbm>>) dst(%dma_wait3A_177 : memref<128x64xf32, #tpu.memory_space<vmem>>)
    %scan3A_186 = arith.constant 0 : i32
    %scan3A_187 = arith.constant 0 : i32
    %scan3A_188 = arith.constant 8 : i32
    %scan3A_189 = arith.addi %scan3A_187, %scan3A_188 : i32
    %scan3A_190 = arith.constant 1 : i32
    %scan3A_191 = scf.for %scan3A_259 = %scan3A_187 to %scan3A_189 step %scan3A_190 iter_args(%scan3A_260 = %scan3A_186) -> (i32)  : i32 {
      %mul3A_261 = arith.constant 16 : i32
      %mul3A_262 = arith.muli %scan3A_259, %mul3A_261 : i32
      %add3A_263 = arith.constant 128 : i32
      %add3A_264 = arith.addi %add3A_263, %mul3A_262 : i32
      %add3A_265 = vector.broadcast %add3A_264 : i32 to vector<16xi32>
      %add3A_266 = arith.addi %add3A_265, %iota3A : vector<16xi32>
      %broadcast_in_dim3A = arith.constant 0.000000e+00 : f32
      %broadcast_in_dim3A_267 = vector.broadcast %broadcast_in_dim3A : f32 to vector<16xf32>
      %scan3A_268 = arith.constant 0 : i32
      %scan3A_269 = arith.constant 8 : i32
      %scan3A_270 = arith.addi %scan3A_268, %scan3A_269 : i32
      %scan3A_271 = arith.constant 1 : i32
      %scan3A_272:2 = scf.for %scan3A_277 = %scan3A_268 to %scan3A_270 step %scan3A_271 iter_args(%scan3A_278 = %broadcast_in_dim3A_267, %scan3A_279 = %broadcast_in_dim3A_267) -> (vector<16xf32>, vector<16xf32>)  : i32 {
        %mul3A_280 = arith.constant 8 : i32
        %mul3A_281 = arith.muli %scan3A_277, %mul3A_280 : i32
        %add3A_282 = arith.constant 0 : i32
        %add3A_283 = arith.addi %mul3A_281, %add3A_282 : i32
        %broadcast_in_dim3A_284 = vector.broadcast %add3A_283 : i32 to vector<16xi32>
        %gather3A = tpu.vector_load_idx %arg9[%add3A_266, %broadcast_in_dim3A_284] : memref<512x64xf32, #tpu.memory_space<vmem>>[vector<16xi32>, vector<16xi32>], vector<16xf32>,
        %gather3A_285 = tpu.vector_load_idx %arg10[%add3A_266, %broadcast_in_dim3A_284] : memref<512x64xf32, #tpu.memory_space<vmem>>[vector<16xi32>, vector<16xi32>], vector<16xf32>,
        %mul3A_286 = arith.mulf %gather3A, %gather3A_285 : vector<16xf32>
        %add3A_287 = arith.addf %scan3A_278, %mul3A_286 : vector<16xf32>
        %add3A_288 = arith.constant 1 : i32
        %add3A_289 = arith.addi %mul3A_281, %add3A_288 : i32
        %broadcast_in_dim3A_290 = vector.broadcast %add3A_289 : i32 to vector<16xi32>
        %gather3A_291 = tpu.vector_load_idx %arg9[%add3A_266, %broadcast_in_dim3A_290] : memref<512x64xf32, #tpu.memory_space<vmem>>[vector<16xi32>, vector<16xi32>], vector<16xf32>,
        %gather3A_292 = tpu.vector_load_idx %arg10[%add3A_266, %broadcast_in_dim3A_290] : memref<512x64xf32, #tpu.memory_space<vmem>>[vector<16xi32>, vector<16xi32>], vector<16xf32>,
        %mul3A_293 = arith.mulf %gather3A_291, %gather3A_292 : vector<16xf32>
        %add3A_294 = arith.addf %scan3A_279, %mul3A_293 : vector<16xf32>
        %add3A_295 = arith.constant 2 : i32
        %add3A_296 = arith.addi %mul3A_281, %add3A_295 : i32
        %broadcast_in_dim3A_297 = vector.broadcast %add3A_296 : i32 to vector<16xi32>
        %gather3A_298 = tpu.vector_load_idx %arg9[%add3A_266, %broadcast_in_dim3A_297] : memref<512x64xf32, #tpu.memory_space<vmem>>[vector<16xi32>, vector<16xi32>], vector<16xf32>,
        %gather3A_299 = tpu.vector_load_idx %arg10[%add3A_266, %broadcast_in_dim3A_297] : memref<512x64xf32, #tpu.memory_space<vmem>>[vector<16xi32>, vector<16xi32>], vector<16xf32>,
        %mul3A_300 = arith.mulf %gather3A_298, %gather3A_299 : vector<16xf32>
        %add3A_301 = arith.addf %add3A_287, %mul3A_300 : vector<16xf32>
        %add3A_302 = arith.constant 3 : i32
        %add3A_303 = arith.addi %mul3A_281, %add3A_302 : i32
        %broadcast_in_dim3A_304 = vector.broadcast %add3A_303 : i32 to vector<16xi32>
        %gather3A_305 = tpu.vector_load_idx %arg9[%add3A_266, %broadcast_in_dim3A_304] : memref<512x64xf32, #tpu.memory_space<vmem>>[vector<16xi32>, vector<16xi32>], vector<16xf32>,
        %gather3A_306 = tpu.vector_load_idx %arg10[%add3A_266, %broadcast_in_dim3A_304] : memref<512x64xf32, #tpu.memory_space<vmem>>[vector<16xi32>, vector<16xi32>], vector<16xf32>,
        %mul3A_307 = arith.mulf %gather3A_305, %gather3A_306 : vector<16xf32>
        %add3A_308 = arith.addf %add3A_294, %mul3A_307 : vector<16xf32>
        %add3A_309 = arith.constant 4 : i32
        %add3A_310 = arith.addi %mul3A_281, %add3A_309 : i32
        %broadcast_in_dim3A_311 = vector.broadcast %add3A_310 : i32 to vector<16xi32>
        %gather3A_312 = tpu.vector_load_idx %arg9[%add3A_266, %broadcast_in_dim3A_311] : memref<512x64xf32, #tpu.memory_space<vmem>>[vector<16xi32>, vector<16xi32>], vector<16xf32>,
        %gather3A_313 = tpu.vector_load_idx %arg10[%add3A_266, %broadcast_in_dim3A_311] : memref<512x64xf32, #tpu.memory_space<vmem>>[vector<16xi32>, vector<16xi32>], vector<16xf32>,
        %mul3A_314 = arith.mulf %gather3A_312, %gather3A_313 : vector<16xf32>
        %add3A_315 = arith.addf %add3A_301, %mul3A_314 : vector<16xf32>
        %add3A_316 = arith.constant 5 : i32
        %add3A_317 = arith.addi %mul3A_281, %add3A_316 : i32
        %broadcast_in_dim3A_318 = vector.broadcast %add3A_317 : i32 to vector<16xi32>
        %gather3A_319 = tpu.vector_load_idx %arg9[%add3A_266, %broadcast_in_dim3A_318] : memref<512x64xf32, #tpu.memory_space<vmem>>[vector<16xi32>, vector<16xi32>], vector<16xf32>,
        %gather3A_320 = tpu.vector_load_idx %arg10[%add3A_266, %broadcast_in_dim3A_318] : memref<512x64xf32, #tpu.memory_space<vmem>>[vector<16xi32>, vector<16xi32>], vector<16xf32>,
        %mul3A_321 = arith.mulf %gather3A_319, %gather3A_320 : vector<16xf32>
        %add3A_322 = arith.addf %add3A_308, %mul3A_321 : vector<16xf32>
        %add3A_323 = arith.constant 6 : i32
        %add3A_324 = arith.addi %mul3A_281, %add3A_323 : i32
        %broadcast_in_dim3A_325 = vector.broadcast %add3A_324 : i32 to vector<16xi32>
        %gather3A_326 = tpu.vector_load_idx %arg9[%add3A_266, %broadcast_in_dim3A_325] : memref<512x64xf32, #tpu.memory_space<vmem>>[vector<16xi32>, vector<16xi32>], vector<16xf32>,
        %gather3A_327 = tpu.vector_load_idx %arg10[%add3A_266, %broadcast_in_dim3A_325] : memref<512x64xf32, #tpu.memory_space<vmem>>[vector<16xi32>, vector<16xi32>], vector<16xf32>,
        %mul3A_328 = arith.mulf %gather3A_326, %gather3A_327 : vector<16xf32>
        %add3A_329 = arith.addf %add3A_315, %mul3A_328 : vector<16xf32>
        %add3A_330 = arith.constant 7 : i32
        %add3A_331 = arith.addi %mul3A_281, %add3A_330 : i32
        %broadcast_in_dim3A_332 = vector.broadcast %add3A_331 : i32 to vector<16xi32>
        %gather3A_333 = tpu.vector_load_idx %arg9[%add3A_266, %broadcast_in_dim3A_332] : memref<512x64xf32, #tpu.memory_space<vmem>>[vector<16xi32>, vector<16xi32>], vector<16xf32>,
        %gather3A_334 = tpu.vector_load_idx %arg10[%add3A_266, %broadcast_in_dim3A_332] : memref<512x64xf32, #tpu.memory_space<vmem>>[vector<16xi32>, vector<16xi32>], vector<16xf32>,
        %mul3A_335 = arith.mulf %gather3A_333, %gather3A_334 : vector<16xf32>
        %add3A_336 = arith.addf %add3A_322, %mul3A_335 : vector<16xf32>
        scf.yield %add3A_329, %add3A_336 : vector<16xf32>, vector<16xf32>
      }
      %scan3A_273 = arith.constant 8 : i32
      %add3A_274 = arith.addf %scan3A_272#0, %scan3A_272#1 : vector<16xf32>
      %swap3A = arith.index_cast %add3A_264 : i32 to index
      %swap3A_275 = tpu.vector_load %arg11[%swap3A] {strides = array<i32>} : memref<512xf32, #tpu.memory_space<vmem>>, vector<16xf32>,
      tpu.vector_store %arg11[%swap3A], %add3A_274 {strides = array<i32>} : memref<512xf32, #tpu.memory_space<vmem>>, vector<16xf32>,
      %scan3A_276 = arith.constant 0 : i32
      scf.yield %scan3A_276 : i32
    }
    %scan3A_192 = arith.constant 8 : i32
    %dma_wait3A_193 = arith.constant 2 : i32
    %dma_wait3A_194 = arith.constant 2 : i32
    %dma_wait3A_195 = arith.constant 256 : i32
    %dma_wait3A_196 = arith.constant 0 : i32
    %dma_wait3A_197 = tpu.memref_slice %arg9[%dma_wait3A_195, %dma_wait3A_196] : memref<512x64xf32, #tpu.memory_space<vmem>> -> memref<128x64xf32, #tpu.memory_space<vmem>>
    %dma_wait3A_198 = arith.constant 0 : i32
    %dma_wait3A_199 = tpu.memref_slice %arg7[%dma_wait3A_193, %dma_wait3A_198] : memref<4x128xi32, #tpu.memory_space<vmem>> -> memref<1x128xi32, #tpu.memory_space<vmem>>
    %dma_wait3A_200 = tpu.memref_squeeze %dma_wait3A_199 : memref<1x128xi32, #tpu.memory_space<vmem>> -> memref<128xi32, #tpu.memory_space<vmem>>
    %dma_wait3A_201 = arith.constant 0 : i32
    %dma_wait3A_202 = arith.constant 0 : i32
    %dma_wait3A_203 = tpu.memref_slice %arg4[%dma_wait3A_201, %dma_wait3A_202] : memref<1000000x64xf32, #tpu.memory_space<hbm>> -> memref<1000000x64xf32, #tpu.memory_space<hbm>>
    %dma_wait3A_204 = tpu.memref_slice %arg12[%dma_wait3A_194] : memref<4x!tpu.dma_semaphore, #tpu.memory_space<semaphore_mem>> -> memref<1x!tpu.dma_semaphore, #tpu.memory_space<semaphore_mem>>
    %dma_wait3A_205 = tpu.memref_squeeze %dma_wait3A_204 : memref<1x!tpu.dma_semaphore, #tpu.memory_space<semaphore_mem>> -> memref<!tpu.dma_semaphore, #tpu.memory_space<semaphore_mem>>
    tpu.wait_indirect_dma semaphore(%dma_wait3A_205 : memref<!tpu.dma_semaphore, #tpu.memory_space<semaphore_mem>>) src(%dma_wait3A_203 : memref<1000000x64xf32, #tpu.memory_space<hbm>>) dst(%dma_wait3A_197 : memref<128x64xf32, #tpu.memory_space<vmem>>)
    %dma_wait3A_206 = arith.constant 2 : i32
    %dma_wait3A_207 = arith.constant 2 : i32
    %dma_wait3A_208 = arith.constant 256 : i32
    %dma_wait3A_209 = arith.constant 0 : i32
    %dma_wait3A_210 = tpu.memref_slice %arg10[%dma_wait3A_208, %dma_wait3A_209] : memref<512x64xf32, #tpu.memory_space<vmem>> -> memref<128x64xf32, #tpu.memory_space<vmem>>
    %dma_wait3A_211 = arith.constant 0 : i32
    %dma_wait3A_212 = tpu.memref_slice %arg8[%dma_wait3A_206, %dma_wait3A_211] : memref<4x128xi32, #tpu.memory_space<vmem>> -> memref<1x128xi32, #tpu.memory_space<vmem>>
    %dma_wait3A_213 = tpu.memref_squeeze %dma_wait3A_212 : memref<1x128xi32, #tpu.memory_space<vmem>> -> memref<128xi32, #tpu.memory_space<vmem>>
    %dma_wait3A_214 = arith.constant 0 : i32
    %dma_wait3A_215 = arith.constant 0 : i32
    %dma_wait3A_216 = tpu.memref_slice %arg5[%dma_wait3A_214, %dma_wait3A_215] : memref<1000000x64xf32, #tpu.memory_space<hbm>> -> memref<1000000x64xf32, #tpu.memory_space<hbm>>
    %dma_wait3A_217 = tpu.memref_slice %arg12[%dma_wait3A_207] : memref<4x!tpu.dma_semaphore, #tpu.memory_space<semaphore_mem>> -> memref<1x!tpu.dma_semaphore, #tpu.memory_space<semaphore_mem>>
    %dma_wait3A_218 = tpu.memref_squeeze %dma_wait3A_217 : memref<1x!tpu.dma_semaphore, #tpu.memory_space<semaphore_mem>> -> memref<!tpu.dma_semaphore, #tpu.memory_space<semaphore_mem>>
    tpu.wait_indirect_dma semaphore(%dma_wait3A_218 : memref<!tpu.dma_semaphore, #tpu.memory_space<semaphore_mem>>) src(%dma_wait3A_216 : memref<1000000x64xf32, #tpu.memory_space<hbm>>) dst(%dma_wait3A_210 : memref<128x64xf32, #tpu.memory_space<vmem>>)
    %scan3A_219 = arith.constant 0 : i32
    %scan3A_220 = arith.constant 0 : i32
    %scan3A_221 = arith.constant 8 : i32
    %scan3A_222 = arith.addi %scan3A_220, %scan3A_221 : i32
    %scan3A_223 = arith.constant 1 : i32
    %scan3A_224 = scf.for %scan3A_259 = %scan3A_220 to %scan3A_222 step %scan3A_223 iter_args(%scan3A_260 = %scan3A_219) -> (i32)  : i32 {
      %mul3A_261 = arith.constant 16 : i32
      %mul3A_262 = arith.muli %scan3A_259, %mul3A_261 : i32
      %add3A_263 = arith.constant 256 : i32
      %add3A_264 = arith.addi %add3A_263, %mul3A_262 : i32
      %add3A_265 = vector.broadcast %add3A_264 : i32 to vector<16xi32>
      %add3A_266 = arith.addi %add3A_265, %iota3A : vector<16xi32>
      %broadcast_in_dim3A = arith.constant 0.000000e+00 : f32
      %broadcast_in_dim3A_267 = vector.broadcast %broadcast_in_dim3A : f32 to vector<16xf32>
      %scan3A_268 = arith.constant 0 : i32
      %scan3A_269 = arith.constant 8 : i32
      %scan3A_270 = arith.addi %scan3A_268, %scan3A_269 : i32
      %scan3A_271 = arith.constant 1 : i32
      %scan3A_272:2 = scf.for %scan3A_277 = %scan3A_268 to %scan3A_270 step %scan3A_271 iter_args(%scan3A_278 = %broadcast_in_dim3A_267, %scan3A_279 = %broadcast_in_dim3A_267) -> (vector<16xf32>, vector<16xf32>)  : i32 {
        %mul3A_280 = arith.constant 8 : i32
        %mul3A_281 = arith.muli %scan3A_277, %mul3A_280 : i32
        %add3A_282 = arith.constant 0 : i32
        %add3A_283 = arith.addi %mul3A_281, %add3A_282 : i32
        %broadcast_in_dim3A_284 = vector.broadcast %add3A_283 : i32 to vector<16xi32>
        %gather3A = tpu.vector_load_idx %arg9[%add3A_266, %broadcast_in_dim3A_284] : memref<512x64xf32, #tpu.memory_space<vmem>>[vector<16xi32>, vector<16xi32>], vector<16xf32>,
        %gather3A_285 = tpu.vector_load_idx %arg10[%add3A_266, %broadcast_in_dim3A_284] : memref<512x64xf32, #tpu.memory_space<vmem>>[vector<16xi32>, vector<16xi32>], vector<16xf32>,
        %mul3A_286 = arith.mulf %gather3A, %gather3A_285 : vector<16xf32>
        %add3A_287 = arith.addf %scan3A_278, %mul3A_286 : vector<16xf32>
        %add3A_288 = arith.constant 1 : i32
        %add3A_289 = arith.addi %mul3A_281, %add3A_288 : i32
        %broadcast_in_dim3A_290 = vector.broadcast %add3A_289 : i32 to vector<16xi32>
        %gather3A_291 = tpu.vector_load_idx %arg9[%add3A_266, %broadcast_in_dim3A_290] : memref<512x64xf32, #tpu.memory_space<vmem>>[vector<16xi32>, vector<16xi32>], vector<16xf32>,
        %gather3A_292 = tpu.vector_load_idx %arg10[%add3A_266, %broadcast_in_dim3A_290] : memref<512x64xf32, #tpu.memory_space<vmem>>[vector<16xi32>, vector<16xi32>], vector<16xf32>,
        %mul3A_293 = arith.mulf %gather3A_291, %gather3A_292 : vector<16xf32>
        %add3A_294 = arith.addf %scan3A_279, %mul3A_293 : vector<16xf32>
        %add3A_295 = arith.constant 2 : i32
        %add3A_296 = arith.addi %mul3A_281, %add3A_295 : i32
        %broadcast_in_dim3A_297 = vector.broadcast %add3A_296 : i32 to vector<16xi32>
        %gather3A_298 = tpu.vector_load_idx %arg9[%add3A_266, %broadcast_in_dim3A_297] : memref<512x64xf32, #tpu.memory_space<vmem>>[vector<16xi32>, vector<16xi32>], vector<16xf32>,
        %gather3A_299 = tpu.vector_load_idx %arg10[%add3A_266, %broadcast_in_dim3A_297] : memref<512x64xf32, #tpu.memory_space<vmem>>[vector<16xi32>, vector<16xi32>], vector<16xf32>,
        %mul3A_300 = arith.mulf %gather3A_298, %gather3A_299 : vector<16xf32>
        %add3A_301 = arith.addf %add3A_287, %mul3A_300 : vector<16xf32>
        %add3A_302 = arith.constant 3 : i32
        %add3A_303 = arith.addi %mul3A_281, %add3A_302 : i32
        %broadcast_in_dim3A_304 = vector.broadcast %add3A_303 : i32 to vector<16xi32>
        %gather3A_305 = tpu.vector_load_idx %arg9[%add3A_266, %broadcast_in_dim3A_304] : memref<512x64xf32, #tpu.memory_space<vmem>>[vector<16xi32>, vector<16xi32>], vector<16xf32>,
        %gather3A_306 = tpu.vector_load_idx %arg10[%add3A_266, %broadcast_in_dim3A_304] : memref<512x64xf32, #tpu.memory_space<vmem>>[vector<16xi32>, vector<16xi32>], vector<16xf32>,
        %mul3A_307 = arith.mulf %gather3A_305, %gather3A_306 : vector<16xf32>
        %add3A_308 = arith.addf %add3A_294, %mul3A_307 : vector<16xf32>
        %add3A_309 = arith.constant 4 : i32
        %add3A_310 = arith.addi %mul3A_281, %add3A_309 : i32
        %broadcast_in_dim3A_311 = vector.broadcast %add3A_310 : i32 to vector<16xi32>
        %gather3A_312 = tpu.vector_load_idx %arg9[%add3A_266, %broadcast_in_dim3A_311] : memref<512x64xf32, #tpu.memory_space<vmem>>[vector<16xi32>, vector<16xi32>], vector<16xf32>,
        %gather3A_313 = tpu.vector_load_idx %arg10[%add3A_266, %broadcast_in_dim3A_311] : memref<512x64xf32, #tpu.memory_space<vmem>>[vector<16xi32>, vector<16xi32>], vector<16xf32>,
        %mul3A_314 = arith.mulf %gather3A_312, %gather3A_313 : vector<16xf32>
        %add3A_315 = arith.addf %add3A_301, %mul3A_314 : vector<16xf32>
        %add3A_316 = arith.constant 5 : i32
        %add3A_317 = arith.addi %mul3A_281, %add3A_316 : i32
        %broadcast_in_dim3A_318 = vector.broadcast %add3A_317 : i32 to vector<16xi32>
        %gather3A_319 = tpu.vector_load_idx %arg9[%add3A_266, %broadcast_in_dim3A_318] : memref<512x64xf32, #tpu.memory_space<vmem>>[vector<16xi32>, vector<16xi32>], vector<16xf32>,
        %gather3A_320 = tpu.vector_load_idx %arg10[%add3A_266, %broadcast_in_dim3A_318] : memref<512x64xf32, #tpu.memory_space<vmem>>[vector<16xi32>, vector<16xi32>], vector<16xf32>,
        %mul3A_321 = arith.mulf %gather3A_319, %gather3A_320 : vector<16xf32>
        %add3A_322 = arith.addf %add3A_308, %mul3A_321 : vector<16xf32>
        %add3A_323 = arith.constant 6 : i32
        %add3A_324 = arith.addi %mul3A_281, %add3A_323 : i32
        %broadcast_in_dim3A_325 = vector.broadcast %add3A_324 : i32 to vector<16xi32>
        %gather3A_326 = tpu.vector_load_idx %arg9[%add3A_266, %broadcast_in_dim3A_325] : memref<512x64xf32, #tpu.memory_space<vmem>>[vector<16xi32>, vector<16xi32>], vector<16xf32>,
        %gather3A_327 = tpu.vector_load_idx %arg10[%add3A_266, %broadcast_in_dim3A_325] : memref<512x64xf32, #tpu.memory_space<vmem>>[vector<16xi32>, vector<16xi32>], vector<16xf32>,
        %mul3A_328 = arith.mulf %gather3A_326, %gather3A_327 : vector<16xf32>
        %add3A_329 = arith.addf %add3A_315, %mul3A_328 : vector<16xf32>
        %add3A_330 = arith.constant 7 : i32
        %add3A_331 = arith.addi %mul3A_281, %add3A_330 : i32
        %broadcast_in_dim3A_332 = vector.broadcast %add3A_331 : i32 to vector<16xi32>
        %gather3A_333 = tpu.vector_load_idx %arg9[%add3A_266, %broadcast_in_dim3A_332] : memref<512x64xf32, #tpu.memory_space<vmem>>[vector<16xi32>, vector<16xi32>], vector<16xf32>,
        %gather3A_334 = tpu.vector_load_idx %arg10[%add3A_266, %broadcast_in_dim3A_332] : memref<512x64xf32, #tpu.memory_space<vmem>>[vector<16xi32>, vector<16xi32>], vector<16xf32>,
        %mul3A_335 = arith.mulf %gather3A_333, %gather3A_334 : vector<16xf32>
        %add3A_336 = arith.addf %add3A_322, %mul3A_335 : vector<16xf32>
        scf.yield %add3A_329, %add3A_336 : vector<16xf32>, vector<16xf32>
      }
      %scan3A_273 = arith.constant 8 : i32
      %add3A_274 = arith.addf %scan3A_272#0, %scan3A_272#1 : vector<16xf32>
      %swap3A = arith.index_cast %add3A_264 : i32 to index
      %swap3A_275 = tpu.vector_load %arg11[%swap3A] {strides = array<i32>} : memref<512xf32, #tpu.memory_space<vmem>>, vector<16xf32>,
      tpu.vector_store %arg11[%swap3A], %add3A_274 {strides = array<i32>} : memref<512xf32, #tpu.memory_space<vmem>>, vector<16xf32>,
      %scan3A_276 = arith.constant 0 : i32
      scf.yield %scan3A_276 : i32
    }
    %scan3A_225 = arith.constant 8 : i32
    %dma_wait3A_226 = arith.constant 3 : i32
    %dma_wait3A_227 = arith.constant 3 : i32
    %dma_wait3A_228 = arith.constant 384 : i32
    %dma_wait3A_229 = arith.constant 0 : i32
    %dma_wait3A_230 = tpu.memref_slice %arg9[%dma_wait3A_228, %dma_wait3A_229] : memref<512x64xf32, #tpu.memory_space<vmem>> -> memref<128x64xf32, #tpu.memory_space<vmem>>
    %dma_wait3A_231 = arith.constant 0 : i32
    %dma_wait3A_232 = tpu.memref_slice %arg7[%dma_wait3A_226, %dma_wait3A_231] : memref<4x128xi32, #tpu.memory_space<vmem>> -> memref<1x128xi32, #tpu.memory_space<vmem>>
    %dma_wait3A_233 = tpu.memref_squeeze %dma_wait3A_232 : memref<1x128xi32, #tpu.memory_space<vmem>> -> memref<128xi32, #tpu.memory_space<vmem>>
    %dma_wait3A_234 = arith.constant 0 : i32
    %dma_wait3A_235 = arith.constant 0 : i32
    %dma_wait3A_236 = tpu.memref_slice %arg4[%dma_wait3A_234, %dma_wait3A_235] : memref<1000000x64xf32, #tpu.memory_space<hbm>> -> memref<1000000x64xf32, #tpu.memory_space<hbm>>
    %dma_wait3A_237 = tpu.memref_slice %arg12[%dma_wait3A_227] : memref<4x!tpu.dma_semaphore, #tpu.memory_space<semaphore_mem>> -> memref<1x!tpu.dma_semaphore, #tpu.memory_space<semaphore_mem>>
    %dma_wait3A_238 = tpu.memref_squeeze %dma_wait3A_237 : memref<1x!tpu.dma_semaphore, #tpu.memory_space<semaphore_mem>> -> memref<!tpu.dma_semaphore, #tpu.memory_space<semaphore_mem>>
    tpu.wait_indirect_dma semaphore(%dma_wait3A_238 : memref<!tpu.dma_semaphore, #tpu.memory_space<semaphore_mem>>) src(%dma_wait3A_236 : memref<1000000x64xf32, #tpu.memory_space<hbm>>) dst(%dma_wait3A_230 : memref<128x64xf32, #tpu.memory_space<vmem>>)
    %dma_wait3A_239 = arith.constant 3 : i32
    %dma_wait3A_240 = arith.constant 3 : i32
    %dma_wait3A_241 = arith.constant 384 : i32
    %dma_wait3A_242 = arith.constant 0 : i32
    %dma_wait3A_243 = tpu.memref_slice %arg10[%dma_wait3A_241, %dma_wait3A_242] : memref<512x64xf32, #tpu.memory_space<vmem>> -> memref<128x64xf32, #tpu.memory_space<vmem>>
    %dma_wait3A_244 = arith.constant 0 : i32
    %dma_wait3A_245 = tpu.memref_slice %arg8[%dma_wait3A_239, %dma_wait3A_244] : memref<4x128xi32, #tpu.memory_space<vmem>> -> memref<1x128xi32, #tpu.memory_space<vmem>>
    %dma_wait3A_246 = tpu.memref_squeeze %dma_wait3A_245 : memref<1x128xi32, #tpu.memory_space<vmem>> -> memref<128xi32, #tpu.memory_space<vmem>>
    %dma_wait3A_247 = arith.constant 0 : i32
    %dma_wait3A_248 = arith.constant 0 : i32
    %dma_wait3A_249 = tpu.memref_slice %arg5[%dma_wait3A_247, %dma_wait3A_248] : memref<1000000x64xf32, #tpu.memory_space<hbm>> -> memref<1000000x64xf32, #tpu.memory_space<hbm>>
    %dma_wait3A_250 = tpu.memref_slice %arg12[%dma_wait3A_240] : memref<4x!tpu.dma_semaphore, #tpu.memory_space<semaphore_mem>> -> memref<1x!tpu.dma_semaphore, #tpu.memory_space<semaphore_mem>>
    %dma_wait3A_251 = tpu.memref_squeeze %dma_wait3A_250 : memref<1x!tpu.dma_semaphore, #tpu.memory_space<semaphore_mem>> -> memref<!tpu.dma_semaphore, #tpu.memory_space<semaphore_mem>>
    tpu.wait_indirect_dma semaphore(%dma_wait3A_251 : memref<!tpu.dma_semaphore, #tpu.memory_space<semaphore_mem>>) src(%dma_wait3A_249 : memref<1000000x64xf32, #tpu.memory_space<hbm>>) dst(%dma_wait3A_243 : memref<128x64xf32, #tpu.memory_space<vmem>>)
    %scan3A_252 = arith.constant 0 : i32
    %scan3A_253 = arith.constant 0 : i32
    %scan3A_254 = arith.constant 8 : i32
    %scan3A_255 = arith.addi %scan3A_253, %scan3A_254 : i32
    %scan3A_256 = arith.constant 1 : i32
    %scan3A_257 = scf.for %scan3A_259 = %scan3A_253 to %scan3A_255 step %scan3A_256 iter_args(%scan3A_260 = %scan3A_252) -> (i32)  : i32 {
      %mul3A_261 = arith.constant 16 : i32
      %mul3A_262 = arith.muli %scan3A_259, %mul3A_261 : i32
      %add3A_263 = arith.constant 384 : i32
      %add3A_264 = arith.addi %add3A_263, %mul3A_262 : i32
      %add3A_265 = vector.broadcast %add3A_264 : i32 to vector<16xi32>
      %add3A_266 = arith.addi %add3A_265, %iota3A : vector<16xi32>
      %broadcast_in_dim3A = arith.constant 0.000000e+00 : f32
      %broadcast_in_dim3A_267 = vector.broadcast %broadcast_in_dim3A : f32 to vector<16xf32>
      %scan3A_268 = arith.constant 0 : i32
      %scan3A_269 = arith.constant 8 : i32
      %scan3A_270 = arith.addi %scan3A_268, %scan3A_269 : i32
      %scan3A_271 = arith.constant 1 : i32
      %scan3A_272:2 = scf.for %scan3A_277 = %scan3A_268 to %scan3A_270 step %scan3A_271 iter_args(%scan3A_278 = %broadcast_in_dim3A_267, %scan3A_279 = %broadcast_in_dim3A_267) -> (vector<16xf32>, vector<16xf32>)  : i32 {
        %mul3A_280 = arith.constant 8 : i32
        %mul3A_281 = arith.muli %scan3A_277, %mul3A_280 : i32
        %add3A_282 = arith.constant 0 : i32
        %add3A_283 = arith.addi %mul3A_281, %add3A_282 : i32
        %broadcast_in_dim3A_284 = vector.broadcast %add3A_283 : i32 to vector<16xi32>
        %gather3A = tpu.vector_load_idx %arg9[%add3A_266, %broadcast_in_dim3A_284] : memref<512x64xf32, #tpu.memory_space<vmem>>[vector<16xi32>, vector<16xi32>], vector<16xf32>,
        %gather3A_285 = tpu.vector_load_idx %arg10[%add3A_266, %broadcast_in_dim3A_284] : memref<512x64xf32, #tpu.memory_space<vmem>>[vector<16xi32>, vector<16xi32>], vector<16xf32>,
        %mul3A_286 = arith.mulf %gather3A, %gather3A_285 : vector<16xf32>
        %add3A_287 = arith.addf %scan3A_278, %mul3A_286 : vector<16xf32>
        %add3A_288 = arith.constant 1 : i32
        %add3A_289 = arith.addi %mul3A_281, %add3A_288 : i32
        %broadcast_in_dim3A_290 = vector.broadcast %add3A_289 : i32 to vector<16xi32>
        %gather3A_291 = tpu.vector_load_idx %arg9[%add3A_266, %broadcast_in_dim3A_290] : memref<512x64xf32, #tpu.memory_space<vmem>>[vector<16xi32>, vector<16xi32>], vector<16xf32>,
        %gather3A_292 = tpu.vector_load_idx %arg10[%add3A_266, %broadcast_in_dim3A_290] : memref<512x64xf32, #tpu.memory_space<vmem>>[vector<16xi32>, vector<16xi32>], vector<16xf32>,
        %mul3A_293 = arith.mulf %gather3A_291, %gather3A_292 : vector<16xf32>
        %add3A_294 = arith.addf %scan3A_279, %mul3A_293 : vector<16xf32>
        %add3A_295 = arith.constant 2 : i32
        %add3A_296 = arith.addi %mul3A_281, %add3A_295 : i32
        %broadcast_in_dim3A_297 = vector.broadcast %add3A_296 : i32 to vector<16xi32>
        %gather3A_298 = tpu.vector_load_idx %arg9[%add3A_266, %broadcast_in_dim3A_297] : memref<512x64xf32, #tpu.memory_space<vmem>>[vector<16xi32>, vector<16xi32>], vector<16xf32>,
        %gather3A_299 = tpu.vector_load_idx %arg10[%add3A_266, %broadcast_in_dim3A_297] : memref<512x64xf32, #tpu.memory_space<vmem>>[vector<16xi32>, vector<16xi32>], vector<16xf32>,
        %mul3A_300 = arith.mulf %gather3A_298, %gather3A_299 : vector<16xf32>
        %add3A_301 = arith.addf %add3A_287, %mul3A_300 : vector<16xf32>
        %add3A_302 = arith.constant 3 : i32
        %add3A_303 = arith.addi %mul3A_281, %add3A_302 : i32
        %broadcast_in_dim3A_304 = vector.broadcast %add3A_303 : i32 to vector<16xi32>
        %gather3A_305 = tpu.vector_load_idx %arg9[%add3A_266, %broadcast_in_dim3A_304] : memref<512x64xf32, #tpu.memory_space<vmem>>[vector<16xi32>, vector<16xi32>], vector<16xf32>,
        %gather3A_306 = tpu.vector_load_idx %arg10[%add3A_266, %broadcast_in_dim3A_304] : memref<512x64xf32, #tpu.memory_space<vmem>>[vector<16xi32>, vector<16xi32>], vector<16xf32>,
        %mul3A_307 = arith.mulf %gather3A_305, %gather3A_306 : vector<16xf32>
        %add3A_308 = arith.addf %add3A_294, %mul3A_307 : vector<16xf32>
        %add3A_309 = arith.constant 4 : i32
        %add3A_310 = arith.addi %mul3A_281, %add3A_309 : i32
        %broadcast_in_dim3A_311 = vector.broadcast %add3A_310 : i32 to vector<16xi32>
        %gather3A_312 = tpu.vector_load_idx %arg9[%add3A_266, %broadcast_in_dim3A_311] : memref<512x64xf32, #tpu.memory_space<vmem>>[vector<16xi32>, vector<16xi32>], vector<16xf32>,
        %gather3A_313 = tpu.vector_load_idx %arg10[%add3A_266, %broadcast_in_dim3A_311] : memref<512x64xf32, #tpu.memory_space<vmem>>[vector<16xi32>, vector<16xi32>], vector<16xf32>,
        %mul3A_314 = arith.mulf %gather3A_312, %gather3A_313 : vector<16xf32>
        %add3A_315 = arith.addf %add3A_301, %mul3A_314 : vector<16xf32>
        %add3A_316 = arith.constant 5 : i32
        %add3A_317 = arith.addi %mul3A_281, %add3A_316 : i32
        %broadcast_in_dim3A_318 = vector.broadcast %add3A_317 : i32 to vector<16xi32>
        %gather3A_319 = tpu.vector_load_idx %arg9[%add3A_266, %broadcast_in_dim3A_318] : memref<512x64xf32, #tpu.memory_space<vmem>>[vector<16xi32>, vector<16xi32>], vector<16xf32>,
        %gather3A_320 = tpu.vector_load_idx %arg10[%add3A_266, %broadcast_in_dim3A_318] : memref<512x64xf32, #tpu.memory_space<vmem>>[vector<16xi32>, vector<16xi32>], vector<16xf32>,
        %mul3A_321 = arith.mulf %gather3A_319, %gather3A_320 : vector<16xf32>
        %add3A_322 = arith.addf %add3A_308, %mul3A_321 : vector<16xf32>
        %add3A_323 = arith.constant 6 : i32
        %add3A_324 = arith.addi %mul3A_281, %add3A_323 : i32
        %broadcast_in_dim3A_325 = vector.broadcast %add3A_324 : i32 to vector<16xi32>
        %gather3A_326 = tpu.vector_load_idx %arg9[%add3A_266, %broadcast_in_dim3A_325] : memref<512x64xf32, #tpu.memory_space<vmem>>[vector<16xi32>, vector<16xi32>], vector<16xf32>,
        %gather3A_327 = tpu.vector_load_idx %arg10[%add3A_266, %broadcast_in_dim3A_325] : memref<512x64xf32, #tpu.memory_space<vmem>>[vector<16xi32>, vector<16xi32>], vector<16xf32>,
        %mul3A_328 = arith.mulf %gather3A_326, %gather3A_327 : vector<16xf32>
        %add3A_329 = arith.addf %add3A_315, %mul3A_328 : vector<16xf32>
        %add3A_330 = arith.constant 7 : i32
        %add3A_331 = arith.addi %mul3A_281, %add3A_330 : i32
        %broadcast_in_dim3A_332 = vector.broadcast %add3A_331 : i32 to vector<16xi32>
        %gather3A_333 = tpu.vector_load_idx %arg9[%add3A_266, %broadcast_in_dim3A_332] : memref<512x64xf32, #tpu.memory_space<vmem>>[vector<16xi32>, vector<16xi32>], vector<16xf32>,
        %gather3A_334 = tpu.vector_load_idx %arg10[%add3A_266, %broadcast_in_dim3A_332] : memref<512x64xf32, #tpu.memory_space<vmem>>[vector<16xi32>, vector<16xi32>], vector<16xf32>,
        %mul3A_335 = arith.mulf %gather3A_333, %gather3A_334 : vector<16xf32>
        %add3A_336 = arith.addf %add3A_322, %mul3A_335 : vector<16xf32>
        scf.yield %add3A_329, %add3A_336 : vector<16xf32>, vector<16xf32>
      }
      %scan3A_273 = arith.constant 8 : i32
      %add3A_274 = arith.addf %scan3A_272#0, %scan3A_272#1 : vector<16xf32>
      %swap3A = arith.index_cast %add3A_264 : i32 to index
      %swap3A_275 = tpu.vector_load %arg11[%swap3A] {strides = array<i32>} : memref<512xf32, #tpu.memory_space<vmem>>, vector<16xf32>,
      tpu.vector_store %arg11[%swap3A], %add3A_274 {strides = array<i32>} : memref<512xf32, #tpu.memory_space<vmem>>, vector<16xf32>,
      %scan3A_276 = arith.constant 0 : i32
      scf.yield %scan3A_276 : i32
    }
    %scan3A_258 = arith.constant 8 : i32
    "tpu.region"() ({
      %run_scoped3A_259 = tpu.sem_alloc : memref<!tpu.dma_semaphore, #tpu.memory_space<semaphore_mem>>
      %dma_start3A_260 = tpu.memref_slice %arg6[%mul3A_2] : memref<16384xf32, #tpu.memory_space<hbm>> -> memref<512xf32, #tpu.memory_space<hbm>>
      %dma_start3A_261 = tpu.memref_slice %arg6[%mul3A_2] : memref<16384xf32, #tpu.memory_space<hbm>> -> memref<512xf32, #tpu.memory_space<hbm>>
      tpu.enqueue_dma source(%arg11 : memref<512xf32, #tpu.memory_space<vmem>>) target(%dma_start3A_261 : memref<512xf32, #tpu.memory_space<hbm>>) target_semaphore(%run_scoped3A_259 : memref<!tpu.dma_semaphore, #tpu.memory_space<semaphore_mem>>)
      %dma_wait3A_262 = tpu.memref_slice %arg6[%mul3A_2] : memref<16384xf32, #tpu.memory_space<hbm>> -> memref<512xf32, #tpu.memory_space<hbm>>
      %dma_wait3A_263 = tpu.memref_slice %arg6[%mul3A_2] : memref<16384xf32, #tpu.memory_space<hbm>> -> memref<512xf32, #tpu.memory_space<hbm>>
      tpu.wait_dma2 semaphore(%run_scoped3A_259 : memref<!tpu.dma_semaphore, #tpu.memory_space<semaphore_mem>>) src(%arg11 : memref<512xf32, #tpu.memory_space<vmem>>) dst(%dma_wait3A_263 : memref<512xf32, #tpu.memory_space<hbm>>)
      tpu.yield
    }) : () -> ()
    return
  }
}

</mosaic_0001>

<sc_bundles>
// kernel: kernel.3.cloned.1.call-start
scs
__scs_entry_jumppad:
0x0: {  	(pc) =	sbr.rel $0x88, $3  }
0x1: {  	(tag) =	ssettag $0x0;
	lr =	simm.s32 $0x1  }
0x2: {  	[smem:$0x3F9D] =	sst lr;
	_ =	strace $0xD0000000  }
0x3: {  	_ = 	snop  }
0x4: {  	_ = 	snop  }
0x5: {  	_ = 	snop  }
0x6: {  	_ = 	snop  }
0x7: {  	_ = 	snop  }
__scs_overlays_trampoline_lowered:
0x8: {  	[smem:$0x3FAC] =	sst s0  }
0x9: {  	[smem:$0x3FAD] =	sst s1  }
0xa: {  	[smem:$0x3FAE] =	sst s2  }
0xb: {  	[smem:$0x3FAF] =	sst s3  }
0xc: {  	[smem:$0x3FB0] =	sst s4  }
0xd: {  	[smem:$0x3FB1] =	sst s5  }
0xe: {  	[smem:$0x3FB2] =	sst s6  }
0xf: {  	[smem:$0x3FB3] =	sst s7  }
0x10: {  	[smem:$0x3FB4] =	sst s8  }
0x11: {  	[smem:$0x3FB5] =	sst s9;
	s0 =	simm.s32 @!p0 $0x0  }
0x12: {  	s1 =	sld [smem:$0x3F9B];
	s0 =	simm.s32 @p0 $0x1  }
0x13: {  	[smem:$0x3FB6] =	sst s0;
	s0 =	simm.s32 @!p1 $0x0  }
0x14: {  	s2 =	sld [smem:$0x3F9A];
	s0 =	simm.s32 @p1 $0x1  }
0x15: {  	[smem:$0x3FB7] =	sst s0;
	s0 =	simm.s32 @!p2 $0x0  }
0x16: {  	s3 =	sld [smem:$0x3FDB];
	s0 =	simm.s32 @p2 $0x1  }
0x17: {  	s4 =	simm.s32 $0x1BF5;
	[smem:$0x3FB9] =	sst s0  }
0x18: {  	s0 =	sld [smem:$0x3F9C];
	_ =	swait.ge [sflag:s4], $0x0  }
0x19: {  	s7 =	sld [smem:$0x3F9D]  }
0x1a: {  	s8 =	sadd.s32 $0xFFFFE003, lr  }
0x1b: {  	s9 =	sadd.s32 $0xFFFFFEF7, lr;
	s5 =	simm.s32 $0xFFFFFFFF;
	p2 =	slt.u32 s8, $0xFFFFF086  }
0x1c: {  	p1 =	slt.u32 s9, $0xF7A;
	s5 =	simm.s32 @!p2 $0x0  }
0x1d: {  	s5 =	simm.s32 @p1 $0x1;
	p0 =	seq.s32 s7, s2  }
0x1e: {  	s7 =	smul.u32 @!p0 $0xF7A, s2;
	p2 =	seq.s32 @!p0 s5, $0x0  }
0x1f: {  	s9 =	smul.u32 $0xF7A, s1;
	s8 =	simm.s32 @!p0 $0x1BF5;
	p2 =	por !p2, p0  }
0x20: {  	[sflag:s8] =	ssyncset.s32 @!p0 $0xFFFFF086;
	s6 =	sadd.s32 @!p0 s3, s7;
	s7 =	simm.s32 @!p0 $0x108  }
0x21: {  	s3 =	sadd.s32 s3, s9;
	s6 =	sadd.s32 @!p0 $0x88, s6;
	s7 =	simm.s32 @p2 $0x1082  }
0x22: {  	[simem:s7], [sflag:s8] =	dma.local @!p0 [hbm:s6], $0xF7A  }
0x23: {  	s9 =	sor.u32 $0xD0000000, s2;
	s6 =	simm.s32 $0x108;
	_ =	swait.ge @!p0 [sflag:s8], $0x0  }
0x24: {  	s3 =	sadd.s32 $0x88, s3;
	s6 =	simm.s32 @!p1 $0x1082;
	[sflag:s4] =	ssyncset.s32 $0xFFFFF086  }
0x25: {  	[simem:s6], [sflag:s4] =	dma.local [hbm:s3], $0xF7A  }
0x26: {  	[smem:$0x3F9D] =	sst s1;
	(tag) =	ssettag s2;
	_ =	strace s9  }
0x27: {  	s1 =	sld [smem:$0x3FAD]  }
0x28: {  	s2 =	sld [smem:$0x3FAE]  }
0x29: {  	s4 =	sld [smem:$0x3FB0]  }
0x2a: {  	p0 =	seq.s32 s5, $0x0;
	s5 =	sld [smem:$0x3FB1]  }
0x2b: {  	s6 =	sld [smem:$0x3FB2]  }
0x2c: {  	s7 =	sld [smem:$0x3FB3]  }
0x2d: {  	s3 =	simm.s32 $0x108;
	s8 =	sld [smem:$0x3FB4]  }
0x2e: {  	s3 =	simm.s32 @!p0 $0x1082;
	s9 =	sld [smem:$0x3FB5]  }
0x2f: {  	lr =	sadd.s32 s0, s3;
	s0 =	sld [smem:$0x3FAC]  }
0x30: {  	s3 =	sld [smem:$0x3FAF]  }
0x31: {  	[smem:$0x3FB8] =	sst s10  }
0x32: {  	s10 =	sld [smem:$0x3FB6];
	_ =	sdelay $0x3  }
0x33: {  	p0 =	seq.s32 s10, $0x1;
	s10 =	sld [smem:$0x3FB8];
	_ =	sdelay $0x3  }
0x34: {  	[smem:$0x3FB8] =	sst s10  }
0x35: {  	s10 =	sld [smem:$0x3FB7];
	_ =	sdelay $0x3  }
0x36: {  	p1 =	seq.s32 s10, $0x1;
	s10 =	sld [smem:$0x3FB8];
	_ =	sdelay $0x3  }
0x37: {  	[smem:$0x3FB8] =	sst s10  }
0x38: {  	s10 =	sld [smem:$0x3FB9]  }
0x39: {  	_ = 	snop;
	(pc) =	sbr.ind lr, $3  }
0x3a: {  	_ = 	snop  }
0x3b: {  	_ = 	snop  }
0x3c: {  	p2 =	seq.s32 s10, $0x1;
	s10 =	sld [smem:$0x3FB8]  }
0x3d: {  	_ =	shalt  }
0x3e: {  	_ =	shalt  }
0x3f: {  	_ =	shalt  }
0x40: {  	_ =	shalt  }
0x41: {  	_ =	shalt  }
0x42: {  	_ =	shalt  }
0x43: {  	_ =	shalt  }
0x44: {  	_ =	shalt  }
0x45: {  	_ =	shalt  }
0x46: {  	_ =	shalt  }
0x47: {  	_ =	shalt  }
0x48: {  	_ =	shalt  }
0x49: {  	_ =	shalt  }
0x4a: {  	_ =	shalt  }
0x4b: {  	_ =	shalt  }
0x4c: {  	_ =	shalt  }
0x4d: {  	_ =	shalt  }
0x4e: {  	_ =	shalt  }
0x4f: {  	_ =	shalt  }
0x50: {  	_ =	shalt  }
0x51: {  	_ =	shalt  }
0x52: {  	_ =	shalt  }
0x53: {  	_ =	shalt  }
0x54: {  	_ =	shalt  }
0x55: {  	_ =	shalt  }
0x56: {  	_ =	shalt  }
0x57: {  	_ =	shalt  }
0x58: {  	_ =	shalt  }
0x59: {  	_ =	shalt  }
0x5a: {  	_ =	shalt  }
0x5b: {  	_ =	shalt  }
0x5c: {  	_ =	shalt  }
0x5d: {  	_ =	shalt  }
0x5e: {  	_ =	shalt  }
0x5f: {  	_ =	shalt  }
0x60: {  	_ =	shalt  }
0x61: {  	_ =	shalt  }
0x62: {  	_ =	shalt  }
0x63: {  	_ =	shalt  }
0x64: {  	_ =	shalt  }
0x65: {  	_ =	shalt  }
0x66: {  	_ =	shalt  }
0x67: {  	_ =	shalt  }
0x68: {  	_ =	shalt  }
0x69: {  	_ =	shalt  }
0x6a: {  	_ =	shalt  }
0x6b: {  	_ =	shalt  }
0x6c: {  	_ =	shalt  }
0x6d: {  	_ =	shalt  }
0x6e: {  	_ =	shalt  }
0x6f: {  	_ =	shalt  }
0x70: {  	_ =	shalt  }
0x71: {  	_ =	shalt  }
0x72: {  	_ =	shalt  }
0x73: {  	_ =	shalt  }
0x74: {  	_ =	shalt  }
0x75: {  	_ =	shalt  }
0x76: {  	_ =	shalt  }
0x77: {  	_ =	shalt  }
0x78: {  	_ =	shalt  }
0x79: {  	_ =	shalt  }
0x7a: {  	_ =	shalt  }
0x7b: {  	_ =	shalt  }
0x7c: {  	_ =	shalt  }
0x7d: {  	_ =	shalt  }
0x7e: {  	_ =	shalt  }
0x7f: {  	_ =	shalt  }
0x80: {  	_ =	shalt  }
0x81: {  	_ =	shalt  }
0x82: {  	_ =	shalt  }
0x83: {  	_ =	shalt  }
0x84: {  	_ =	shalt  }
0x85: {  	_ =	shalt  }
0x86: {  	_ =	shalt  }
0x87: {  	_ =	shalt  }
.Lfunc_end0:
.L_simem_size_0:
called_computation_lowered:
.L_overlay_start_0:
0x88: {  	s2 =	sld [smem:$0x3FD9]  }
0x89: {  	s3 =	sld [smem:$0x3FFE];
	_ =	sdelay $0x1  }
0x8a: {  	s1 =	srdreg.scid  }
0x8b: {  	s0 =	sand.u32 $0x1, s1  }
0x8c: {  	s17 =	sshll.u32 s0, $0xA;
	s2 =	sadd.s32 s3, s2  }
0x8d: {  	s2 =	sadd.s32 s2, s17  }
0x8e: {  	[smem:$0x3FC4] =	sst s2  }
0x8f: {  	_ = 	snop  }
0x90: {  	s2 =	sld [smem:$0x3FC9]  }
0x91: {  	s18 =	sld [smem:$0x3FC8]  }
0x92: {  	s4 =	sld [smem:$0x3FD0];
	(tm) =	ssettm $0x1  }
0x93: {  	s5 =	sld [smem:$0x3FFB];
	_ =	sdelay $0x3  }
0x94: {  	_ =	strace s5  }
0x95: {  	s5 =	sld [smem:$0x3FFC];
	_ =	sdelay $0x3  }
0x96: {  	_ =	strace s5  }
0x97: {  	s5 =	sld [smem:$0x3FFD];
	_ =	sdelay $0x3  }
0x98: {  	_ =	strace s5  }
0x99: {  	_ =	strace $0x8FFFFFFF  }
0x9a: {  	s19 =	sld [smem:$0x3FDB];
	_ =	sdelay $0x1  }
0x9b: {  	s6 =	simm.s32 $_scs_section_size  }
0x9c: {  	s7 =	simm.s32 $_size__tile_overlayer_lowered;
	s8 =	simm.s32 $_tile_overlayer_lowered  }
0x9d: {  	s22 =	simm.s32 $0x1BFF;
	s21 =	sshll.u32 s8, $0x1;
	s5 =	sadd.s32 s6, s19  }
0x9e: {  	s9 =	simm.s32 $0x0;
	s20 =	sshll.u32 s7, $0x1;
	s7 =	sadd.s32 s21, s5  }
0x9f: {  	[timem:s9], [sflag:s22] =	dma.local [hbm:s7], s20  }
0xa0: {  	_ =	swait.ge [sflag:s22], s20  }
0xa1: {  	s6 =	ssub.s32 $0x0, s20;
	[sflag:s22] =	ssyncset.done $0x0  }
0xa2: {  	[sflag:s22] =	ssyncadd.s32 s6;
	_ =	sdelay $0x1  }
0xa3: {  	s23 =	simm.s32 $0x1B8B  }
0xa4: {  	_ =	swait.ge [sflag:s23], $0x1  }
0xa5: {  	[sflag:s23] =	ssyncset.done $0x0  }
0xa6: {  	s25 =	simm.s32 $0x1B8E;
	s24 =	sld [smem:$0x3FFE];
	[sflag:s23] =	ssyncadd.s32 $0xFFFFFFFF  }
0xa7: {  	s26 =	simm.s32 $execute0_lowered;
	[smem:$0x3FD2] =	sst s25  }
0xa8: {  	s7 =	sshll.u32 s26, $0x1;
	_ =	strace $0x80000046;
	[dreg:$0x1] =	wrdreg $0xFFFFFFFF  }
0xa9: {  	s28 =	simm.s32 $_size_execute0_lowered;
	s5 =	sadd.s32 s5, s7;
	[dreg:$0x0] =	wrdreg $0x0  }
0xaa: {  	s7 =	sshll.u32 s28, $0x1;
	[dreg:$0x2] =	wrdreg s5  }
0xab: {  	[dreg:$0x3] =	wrdreg s7  }
0xac: {  	[dreg:$0x4] =	wrdreg $0xC0  }
0xad: {  	_ =	task [dreg:s9], $0x5FFFF  }
0xae: {  	[dreg:$0x1] =	wrdreg $0xFFFFFFFF  }
0xaf: {  	[dreg:$0x0] =	wrdreg $0x60  }
0xb0: {  	[dreg:$0x2] =	wrdreg s2  }
0xb1: {  	[dreg:$0x3] =	wrdreg s18  }
0xb2: {  	[dreg:$0x4] =	wrdreg s24  }
0xb3: {  	[dreg:$0x5] =	wrdreg s4  }
0xb4: {  	[dreg:$0x6] =	wrdreg $0x9  }
0xb5: {  	_ =	task.clear_ibuf [dreg:s9], $0x7FFFF;
	_ =	strace $0x90000046  }
0xb6: {  	s29 =	simm.s32 $0x9;
	_ =	strace $0x80000048  }
0xb7: {  	_ =	swait.ge [sflag:s29], $0x1  }
0xb8: {  	[sflag:s29] =	ssyncadd.s32 $0xFFFFFFFF  }
0xb9: {  	_ =	strace $0x90000048  }
0xba: {  	_ =	sfence  }
0xbb: {  	s30 =	sld [smem:$0x0];
	_ =	sdelay $0x2  }
0xbc: {  	s31 =	sshll.u32 s1, $0xD;
	s1 =	sshrl.u32 s1, $0x2  }
0xbd: {  	s3 =	sand.u32 $0x4000, s31;
	s1 =	sadd.s32 s1, s30  }
0xbe: {  	s0 =	sor.u32 s3, s0;
	s1 =	sshll.u32 s1, $0x11  }
0xbf: {  	s0 =	sor.u32 s1, s0  }
0xc0: {  	s0 =	sadd.s32 $0x8F2B, s0  }
0xc1: {  	[sflag:s0] =	ssyncadd.remote.s32 $0x1  }
0xc2: {  	_ =	sfence.sel $0xFFFF  }
0xc3: {  	[dreg:$0x0] =	wrdreg $0xFFFFFFFF;
	(pc) =	sbr.abs _section_cstart, $3  }
0xc4: {  	[dreg:$0x1] =	wrdreg $0xFFFFFFFF  }
0xc5: {  	_ =	task.clear_ibuf [dreg:s9], $0x2FFFF;
	_ =	strace $0x9FFFFFFF  }
0xc6: {  	(tm) =	ssettm $0x7FFFFFFF  }
0xc7: {  	_ =	shalt  }
tec
execute0_lowered:
.L_overlay_start_1:
0x0: {  	(tag) =	ssettag $0x1  }
0x1: {  	s0 =	rddreg [dreg:$0x0]  }
0x2: {  	s2 =	rddreg [dreg:$0x1]  }
0x3: {  	s4 =	rddreg [dreg:$0x2]  }
0x4: {  	s5 =	rddreg [dreg:$0x3];
	s1 =	simm.s32 $0x0  }
0x5: {  	s6 =	srdreg.scid;
	s8 =	stileid.u32;
	s15 =	simm.s32 $0x5  }
0x6: {  	s16 =	simm.s32 $0x200;
	s17 =	simm.s32 $0x80;
	s18 =	simm.s32 $0x280  }
0x7: {  	s19 =	simm.s32 $0x100;
	s20 =	simm.s32 $0x300;
	s21 =	simm.s32 $0x180  }
0x8: {  	s22 =	simm.s32 $0x380;
	s23 =	simm.s32 $0x400;
	s24 =	simm.s32 $0x8400  }
0x9: {  	s25 =	simm.s32 $0x3;
	s26 =	simm.s32 $0x4;
	s29 =	simm.s32 $0x0  }
0xa: {  	[smem:$0x7FF] =	sst s1;
	s3 =	sadd.s32 $0xF42800, s4;
	s6 =	sand.u32 $0x1, s6  }
0xb: {  	s8 =	sshll.u32 s8, $0x7;
	s7 =	ssub.s32 $0x2, s6;
	s6 =	sshll.u32 s6, $0x6  }
0xc: {  	s4 =	sadd.s32 $0x16E3A00, s4;
	s9 =	sshrl.u32 s7, $0x1;
	s13 =	sor.u32 s6, s8  }
0xd: {  	_ =	strace $0x80000047;
	s14 =	ssub.s32 s7, s9;
	s6 =	sadd.s32 s0, s13  }
0xe: {  	s8 =	sor.u32 $0x10, s13;
	s10 =	sor.u32 $0x20, s13;
	s12 =	sor.u32 $0x30, s13  }
0xf: {  	[dreg:$0x5] =	wrdreg s6;
	s6 =	sadd.s32 s2, s13;
	s7 =	sadd.s32 s0, s8  }
0x10: {  	s8 =	sadd.s32 s2, s8;
	s9 =	sadd.s32 s0, s10;
	s10 =	sadd.s32 s2, s10  }
0x11: {  	v0 =	vlaneseq.u32;
	s11 =	sadd.s32 s0, s12;
	s12 =	sadd.s32 s2, s12;
	s13 =	sadd.s32 s5, s13  }
0x12: {  	v0 =	vmul.u32 $0x40, v0;
	s14 =	smax.u32 s14, $0x1;
	s0 =	simm.s32 $0x1;
	s2 =	simm.s32 $0x2  }
.LBB2_1:
0x13: {  	s5 =	rddreg [dreg:$0x5]  }
0x14: {  	[tilespmem:s1], [sflag:$0x5] =	stream.linear.gather [hbm4b:s5+s1], $0x80, $0x38;
	[tilespmem:$0x10600] =	vst v63  }
0x15: {  	_ =	swait.ge [sflag:s15], $0x80  }
0x16: {  	[sflag:s15] =	ssyncset.done $0x0  }
0x17: {  	[sflag:s15] =	ssyncadd.s32 $0xFFFFFF80  }
0x18: {  	[tilespmem:s16], [sflag:$0x5] =	stream.linear.gather [hbm4b:s6+s1], $0x80, $0x38;
	[tilespmem:$0x10600] =	vst v63  }
0x19: {  	_ =	swait.ge [sflag:s15], $0x80  }
0x1a: {  	[sflag:s15] =	ssyncset.done $0x0  }
0x1b: {  	[sflag:s15] =	ssyncadd.s32 $0xFFFFFF80  }
0x1c: {  	[tilespmem:s17], [sflag:$0x5] =	stream.linear.gather [hbm4b:s7+s1], $0x80, $0x38;
	[tilespmem:$0x10600] =	vst v63  }
0x1d: {  	_ =	swait.ge [sflag:s15], $0x80  }
0x1e: {  	[sflag:s15] =	ssyncset.done $0x0  }
0x1f: {  	[sflag:s15] =	ssyncadd.s32 $0xFFFFFF80  }
0x20: {  	[tilespmem:s18], [sflag:$0x5] =	stream.linear.gather [hbm4b:s8+s1], $0x80, $0x38;
	[tilespmem:$0x10600] =	vst v63  }
0x21: {  	_ =	swait.ge [sflag:s15], $0x80  }
0x22: {  	[sflag:s15] =	ssyncset.done $0x0  }
0x23: {  	[sflag:s15] =	ssyncadd.s32 $0xFFFFFF80  }
0x24: {  	[tilespmem:s19], [sflag:$0x5] =	stream.linear.gather [hbm4b:s9+s1], $0x80, $0x38;
	[tilespmem:$0x10600] =	vst v63  }
0x25: {  	_ =	swait.ge [sflag:s15], $0x80  }
0x26: {  	[sflag:s15] =	ssyncset.done $0x0  }
0x27: {  	[sflag:s15] =	ssyncadd.s32 $0xFFFFFF80  }
0x28: {  	[tilespmem:s20], [sflag:$0x5] =	stream.linear.gather [hbm4b:s10+s1], $0x80, $0x38;
	[tilespmem:$0x10600] =	vst v63  }
0x29: {  	_ =	swait.ge [sflag:s15], $0x80  }
0x2a: {  	[sflag:s15] =	ssyncset.done $0x0  }
0x2b: {  	[sflag:s15] =	ssyncadd.s32 $0xFFFFFF80  }
0x2c: {  	[tilespmem:s21], [sflag:$0x5] =	stream.linear.gather [hbm4b:s11+s1], $0x80, $0x38;
	[tilespmem:$0x10600] =	vst v63  }
0x2d: {  	_ =	swait.ge [sflag:s15], $0x80  }
0x2e: {  	[sflag:s15] =	ssyncset.done $0x0  }
0x2f: {  	[sflag:s15] =	ssyncadd.s32 $0xFFFFFF80  }
0x30: {  	[tilespmem:s22], [sflag:$0x5] =	stream.linear.gather [hbm4b:s12+s1], $0x80, $0x38;
	[tilespmem:$0x10600] =	vst v63  }
0x31: {  	_ =	swait.ge [sflag:s15], $0x80  }
0x32: {  	[sflag:s15] =	ssyncset.done $0x0  }
0x33: {  	[sflag:s15] =	ssyncadd.s32 $0xFFFFFF80  }
0x34: {  	[tilespmem:s23], [sflag:$0x1] =	stream.indirect.gather [hbm4b:s3+s17], $0x40, s1, s17, $0xb8;
	[tilespmem:$0x10600] =	vst v63  }
0x35: {  	_ = 	snop  }
0x36: {  	[tilespmem:s24], [sflag:$0x1] =	stream.indirect.gather [hbm4b:s4+s17], $0x40, s16, s17, $0xb8;
	[tilespmem:$0x10600] =	vst v63  }
0x37: {  	s28 =	simm.s32 $0x2400  }
0x38: {  	[tilespmem:s28], [sflag:$0x2] =	stream.indirect.gather [hbm4b:s3+s17], $0x40, s17, s17, $0xb8;
	[tilespmem:$0x10600] =	vst v63  }
0x39: {  	s31 =	simm.s32 $0xA400  }
0x3a: {  	[tilespmem:s31], [sflag:$0x2] =	stream.indirect.gather [hbm4b:s4+s17], $0x40, s18, s17, $0xb8;
	[tilespmem:$0x10600] =	vst v63  }
0x3b: {  	s28 =	simm.s32 $0x4400  }
0x3c: {  	[tilespmem:s28], [sflag:$0x3] =	stream.indirect.gather [hbm4b:s3+s17], $0x40, s19, s17, $0xb8;
	[tilespmem:$0x10600] =	vst v63  }
0x3d: {  	s31 =	simm.s32 $0xC400  }
0x3e: {  	[tilespmem:s31], [sflag:$0x3] =	stream.indirect.gather [hbm4b:s4+s17], $0x40, s20, s17, $0xb8;
	[tilespmem:$0x10600] =	vst v63  }
0x3f: {  	s28 =	simm.s32 $0x6400  }
0x40: {  	[tilespmem:s28], [sflag:$0x4] =	stream.indirect.gather [hbm4b:s3+s17], $0x40, s21, s17, $0xb8;
	[tilespmem:$0x10600] =	vst v63  }
0x41: {  	s31 =	simm.s32 $0xE400  }
0x42: {  	[tilespmem:s31], [sflag:$0x4] =	stream.indirect.gather [hbm4b:s4+s17], $0x40, s22, s17, $0xb8;
	[tilespmem:$0x10600] =	vst v63  }
0x43: {  	_ =	swait.ge [sflag:s0], $0x2000  }
0x44: {  	[sflag:s0] =	ssyncset.done $0x0  }
0x45: {  	[sflag:s0] =	ssyncadd.s32 $0xFFFFE000  }
0x46: {  	_ =	swait.ge [sflag:s0], $0x2000  }
0x47: {  	[sflag:s0] =	ssyncset.done $0x0  }
0x48: {  	s30 =	simm.s32 $0x0;
	[sflag:s0] =	ssyncadd.s32 $0xFFFFE000  }
.LBB2_2:
0x49: {  	s5 =	simm.s32 $0x0  }
0x4a: {  	s31 =	sshll.u32 s30, $0x4;
	v1 =	vmov s5  }
0x4b: {  	v2 =	vmov s31;
	v1 =	vshrl.u32 v1, $0x3  }
0x4c: {  	v2 =	vshll.u32 v2, $0x6;
	v1 =	vshll.u32 v1, $0x3  }
0x4d: {  	v3 =	vor.u32 v0, v2;
	v13 =	vbroadcast v1, $0x0  }
0x4e: {  	v6 =	vor.u32 $0x6, v3  }
0x4f: {  	v2 =	vadd.s32 v6, v13  }
0x50: {  	v8 =	vor.u32 $0x4, v3  }
0x51: {  	v4 =	vadd.s32 v8, v13  }
0x52: {  	v11 =	vor.u32 $0x2, v3  }
0x53: {  	v5 =	vadd.s32 v11, v13  }
0x54: {  	v1 =	vld.idx.msk [tilespmem:v2+s23+$0x0], $0xffff  }
0x55: {  	v16 =	vor.u32 v3, v13;
	v7 =	vld.idx.msk [tilespmem:v2+s24+$0x0], $0xffff  }
0x56: {  	v10 =	vor.u32 $0x1, v3;
	v2 =	vld.idx.msk [tilespmem:v4+s23+$0x0], $0xffff  }
0x57: {  	v17 =	vadd.s32 v10, v13;
	v4 =	vld.idx.msk [tilespmem:v4+s24+$0x0], $0xffff  }
0x58: {  	v12 =	vor.u32 $0x3, v3;
	v14 =	vld.idx.msk [tilespmem:v5+s23+$0x0], $0xffff  }
0x59: {  	s5 =	simm.s32 $0x8;
	v18 =	vadd.s32 v12, v13;
	v15 =	vld.idx.msk [tilespmem:v5+s24+$0x0], $0xffff  }
0x5a: {  	v20 =	vmov s5;
	v9 =	vor.u32 $0x5, v3;
	v19 =	vld.idx.msk [tilespmem:v16+s23+$0x0], $0xffff;
	v5 =	vor.u32 $0x7, v3  }
0x5b: {  	v23 =	vld.idx.msk [tilespmem:v16+s24+$0x0], $0xffff;
	v16 =	vadd.s32 v9, v13;
	v30 =	vadd.s32 v5, v13;
	v13 =	vshrl.u32 v20, $0x3  }
0x5c: {  	v27 =	vld.idx.msk [tilespmem:v17+s23+$0x0], $0xffff;
	v13 =	vshll.u32 v13, $0x3  }
0x5d: {  	v29 =	vld.idx.msk [tilespmem:v17+s24+$0x0], $0xffff;
	v13 =	vbroadcast v13, $0x0  }
0x5e: {  	v21 =	vld.idx.msk [tilespmem:v18+s23+$0x0], $0xffff  }
0x5f: {  	v22 =	vld.idx.msk [tilespmem:v18+s24+$0x0], $0xffff;
	v26 =	vadd.s32 v6, v13  }
0x60: {  	v17 =	vld.idx.msk [tilespmem:v16+s23+$0x0], $0xffff  }
0x61: {  	v18 =	vld.idx.msk [tilespmem:v16+s24+$0x0], $0xffff;
	v25 =	vadd.s32 v8, v13  }
0x62: {  	v20 =	vimm.f32 $0.0e+00;
	v24 =	vadd.s32 v11, v13;
	v16 =	vld.idx.msk [tilespmem:v30+s23+$0x0], $0xffff  }
0x63: {  	s28 =	simm.s32 $0x10;
	v28 =	vmul.f32 v23, v19;
	v27 =	vmul.f32 v29, v27;
	v23 =	vimm.f32 $0.0e+00;
	v19 =	vld.idx.msk [tilespmem:v30+s24+$0x0], $0xffff  }
.LBB2_3:
0x64: {  	p0 =	sne.s32 s28, $0x38;
	v29 =	vor.u32 v3, v13;
	v30 =	vld.idx.msk [tilespmem:v26+s23+$0x0], $0xffff;
	v14 =	vmul.f32 v15, v14  }
0x65: {  	v21 =	vmul.f32 v22, v21;
	v26 =	vld.idx.msk [tilespmem:v26+s24+$0x0], $0xffff;
	v15 =	vadd.f32 v28, v20;
	v20 =	vadd.f32 v27, v23  }
0x66: {  	v22 =	vadd.s32 v10, v13;
	v23 =	vmul.f32 v4, v2;
	v2 =	vld.idx.msk [tilespmem:v25+s23+$0x0], $0xffff  }
0x67: {  	v17 =	vmul.f32 v18, v17;
	v4 =	vld.idx.msk [tilespmem:v25+s24+$0x0], $0xffff;
	v25 =	vadd.f32 v14, v15;
	v20 =	vadd.f32 v21, v20  }
0x68: {  	v7 =	vmul.f32 v7, v1;
	v27 =	vadd.s32 v12, v13;
	v18 =	vmov s28;
	v14 =	vld.idx.msk [tilespmem:v24+s23+$0x0], $0xffff  }
0x69: {  	v16 =	vmul.f32 v19, v16;
	v15 =	vld.idx.msk [tilespmem:v24+s24+$0x0], $0xffff;
	v21 =	vadd.f32 v23, v25;
	v17 =	vadd.f32 v17, v20  }
0x6a: {  	v18 =	vshrl.u32 v18, $0x3;
	v1 =	vmov v30;
	v19 =	vld.idx.msk [tilespmem:v29+s23+$0x0], $0xffff  }
0x6b: {  	v24 =	vadd.s32 v9, v13;
	v28 =	vld.idx.msk [tilespmem:v29+s24+$0x0], $0xffff;
	v20 =	vadd.f32 v7, v21;
	v23 =	vadd.f32 v16, v17  }
0x6c: {  	v16 =	vshll.u32 v18, $0x3;
	v7 =	vmov v26;
	v29 =	vld.idx.msk [tilespmem:v22+s23+$0x0], $0xffff  }
0x6d: {  	v31 =	vadd.s32 v5, v13;
	v13 =	vbroadcast v16, $0x0;
	v30 =	vld.idx.msk [tilespmem:v22+s24+$0x0], $0xffff  }
0x6e: {  	v21 =	vld.idx.msk [tilespmem:v27+s23+$0x0], $0xffff  }
.Ltmp0:
0x6f: {  	v26 =	vadd.s32 v6, v13;
	v22 =	vld.idx.msk [tilespmem:v27+s24+$0x0], $0xffff;
	(pc) =	sbr.rel @p0 .LBB2_3-.Ltmp0, $4  }
0x70: {  	v17 =	vld.idx.msk [tilespmem:v24+s23+$0x0], $0xffff  }
0x71: {  	v25 =	vadd.s32 v8, v13;
	v18 =	vld.idx.msk [tilespmem:v24+s24+$0x0], $0xffff  }
0x72: {  	v16 =	vld.idx.msk [tilespmem:v31+s23+$0x0], $0xffff  }
0x73: {  	s28 =	sadd.s32 $0x8, s28;
	v28 =	vmul.f32 v28, v19;
	v24 =	vadd.s32 v11, v13;
	v27 =	vmul.f32 v30, v29;
	v19 =	vld.idx.msk [tilespmem:v31+s24+$0x0], $0xffff  }
0x74: {  	_ =	sdelay $0x3  }
0x75: {  	v6 =	vld.idx.msk [tilespmem:v26+s23+$0x0], $0xffff  }
0x76: {  	v3 =	vor.u32 v3, v13;
	v8 =	vld.idx.msk [tilespmem:v26+s24+$0x0], $0xffff  }
0x77: {  	v11 =	vld.idx.msk [tilespmem:v25+s23+$0x0], $0xffff  }
0x78: {  	v10 =	vadd.s32 v10, v13;
	v46 =	vld.idx.msk [tilespmem:v25+s24+$0x0], $0xffff  }
0x79: {  	v47 =	vld.idx.msk [tilespmem:v24+s23+$0x0], $0xffff  }
0x7a: {  	v12 =	vadd.s32 v12, v13;
	v48 =	vld.idx.msk [tilespmem:v24+s24+$0x0], $0xffff  }
0x7b: {  	v29 =	vld.idx.msk [tilespmem:v3+s23+$0x0], $0xffff  }
0x7c: {  	v14 =	vmul.f32 v15, v14;
	v9 =	vadd.s32 v9, v13;
	v49 =	vadd.f32 v28, v20;
	v3 =	vld.idx.msk [tilespmem:v3+s24+$0x0], $0xffff  }
0x7d: {  	v21 =	vmul.f32 v22, v21;
	v50 =	vadd.f32 v27, v23;
	v51 =	vld.idx.msk [tilespmem:v10+s23+$0x0], $0xffff  }
0x7e: {  	v2 =	vmul.f32 v4, v2;
	v5 =	vadd.s32 v5, v13;
	v52 =	vadd.f32 v14, v49;
	v10 =	vld.idx.msk [tilespmem:v10+s24+$0x0], $0xffff  }
0x7f: {  	v54 =	vmul.f32 v18, v17;
	v53 =	vadd.f32 v21, v50;
	v55 =	vld.idx.msk [tilespmem:v12+s23+$0x0], $0xffff  }
0x80: {  	v1 =	vmul.f32 v7, v1;
	v2 =	vadd.f32 v2, v52;
	v56 =	vld.idx.msk [tilespmem:v12+s24+$0x0], $0xffff  }
0x81: {  	v58 =	vmul.f32 v19, v16;
	v57 =	vadd.f32 v54, v53;
	v59 =	vld.idx.msk [tilespmem:v9+s23+$0x0], $0xffff  }
0x82: {  	v1 =	vadd.f32 v1, v2;
	v2 =	vld.idx.msk [tilespmem:v9+s24+$0x0], $0xffff  }
0x83: {  	v60 =	vld.idx.msk [tilespmem:v5+s23+$0x0], $0xffff;
	v7 =	vadd.f32 v58, v57;
	v3 =	vmul.f32 v3, v29;
	v10 =	vmul.f32 v10, v51  }
0x84: {  	v5 =	vld.idx.msk [tilespmem:v5+s24+$0x0], $0xffff;
	v61 =	vmul.f32 v48, v47  }
0x85: {  	v4 =	vmul.f32 v56, v55;
	v1 =	vadd.f32 v3, v1;
	v3 =	vadd.f32 v10, v7  }
0x86: {  	v62 =	vmul.f32 v46, v11  }
0x87: {  	v2 =	vmul.f32 v2, v59;
	v1 =	vadd.f32 v61, v1;
	v3 =	vadd.f32 v4, v3  }
0x88: {  	v63 =	vmul.f32 v8, v6  }
0x89: {  	s30 =	sadd.s32 $0x1, s30;
	v1 =	vadd.f32 v62, v1;
	v2 =	vadd.f32 v2, v3;
	v3 =	vmul.f32 v5, v60  }
0x8a: {  	p0 =	sne.s32 s30, $0x8  }
.Ltmp1:
0x8b: {  	v1 =	vadd.f32 v63, v1;
	v2 =	vadd.f32 v3, v2;
	(pc) =	sbr.rel @p0 .LBB2_2-.Ltmp1, $3  }
0x8c: {  	_ = 	snop  }
0x8d: {  	v1 =	vadd.f32 v2, v1;
	_ =	sdelay $0x1  }
0x8e: {  	[tilespmem:s31+$0x10400] =	vst v1  }
0x8f: {  	_ =	swait.ge [sflag:s2], $0x2000  }
0x90: {  	[sflag:s2] =	ssyncset.done $0x0  }
0x91: {  	[sflag:s2] =	ssyncadd.s32 $0xFFFFE000  }
0x92: {  	_ =	swait.ge [sflag:s2], $0x2000  }
0x93: {  	[sflag:s2] =	ssyncset.done $0x0  }
0x94: {  	s30 =	simm.s32 $0x0;
	s31 =	simm.s32 $0x0;
	[sflag:s2] =	ssyncadd.s32 $0xFFFFE000  }
.LBB2_6:
0x95: {  	s5 =	sshll.u32 s31, $0x4;
	v1 =	vmov s30  }
0x96: {  	s28 =	sadd.s32 $0x80, s5;
	v1 =	vshrl.u32 v1, $0x3  }
0x97: {  	v2 =	vmov s28;
	v1 =	vshll.u32 v1, $0x3  }
0x98: {  	v2 =	vshll.u32 v2, $0x6;
	v13 =	vbroadcast v1, $0x0  }
0x99: {  	v3 =	vor.u32 v0, v2  }
0x9a: {  	v16 =	vor.u32 v3, v13  }
0x9b: {  	v6 =	vor.u32 $0x6, v3  }
0x9c: {  	v2 =	vadd.s32 v6, v13  }
0x9d: {  	v8 =	vor.u32 $0x4, v3  }
0x9e: {  	v11 =	vor.u32 $0x2, v3;
	v4 =	vadd.s32 v8, v13  }
0x9f: {  	v5 =	vadd.s32 v11, v13;
	v19 =	vld.idx.msk [tilespmem:v16+s23+$0x0], $0xffff  }
0xa0: {  	v23 =	vld.idx.msk [tilespmem:v16+s24+$0x0], $0xffff  }
0xa1: {  	v10 =	vor.u32 $0x1, v3;
	v1 =	vld.idx.msk [tilespmem:v2+s23+$0x0], $0xffff  }
0xa2: {  	v17 =	vadd.s32 v10, v13;
	v7 =	vld.idx.msk [tilespmem:v2+s24+$0x0], $0xffff  }
0xa3: {  	v12 =	vor.u32 $0x3, v3;
	v2 =	vld.idx.msk [tilespmem:v4+s23+$0x0], $0xffff  }
0xa4: {  	s5 =	simm.s32 $0x8;
	v18 =	vadd.s32 v12, v13;
	v14 =	vld.idx.msk [tilespmem:v5+s23+$0x0], $0xffff  }
0xa5: {  	v20 =	vmov s5;
	v9 =	vor.u32 $0x5, v3;
	v15 =	vld.idx.msk [tilespmem:v5+s24+$0x0], $0xffff;
	v5 =	vor.u32 $0x7, v3  }
0xa6: {  	v16 =	vadd.s32 v9, v13;
	v4 =	vld.idx.msk [tilespmem:v4+s24+$0x0], $0xffff;
	v30 =	vadd.s32 v5, v13;
	v13 =	vshrl.u32 v20, $0x3  }
0xa7: {  	v27 =	vld.idx.msk [tilespmem:v17+s23+$0x0], $0xffff;
	v13 =	vshll.u32 v13, $0x3  }
0xa8: {  	v29 =	vld.idx.msk [tilespmem:v17+s24+$0x0], $0xffff;
	v13 =	vbroadcast v13, $0x0  }
0xa9: {  	v21 =	vld.idx.msk [tilespmem:v18+s23+$0x0], $0xffff  }
0xaa: {  	v22 =	vld.idx.msk [tilespmem:v18+s24+$0x0], $0xffff;
	v26 =	vadd.s32 v6, v13  }
0xab: {  	v17 =	vld.idx.msk [tilespmem:v16+s23+$0x0], $0xffff  }
0xac: {  	v18 =	vld.idx.msk [tilespmem:v16+s24+$0x0], $0xffff;
	v25 =	vadd.s32 v8, v13  }
0xad: {  	v20 =	vimm.f32 $0.0e+00;
	v28 =	vmul.f32 v23, v19;
	v16 =	vld.idx.msk [tilespmem:v30+s23+$0x0], $0xffff  }
0xae: {  	s5 =	simm.s32 $0x10;
	v23 =	vimm.f32 $0.0e+00;
	v24 =	vadd.s32 v11, v13;
	v27 =	vmul.f32 v29, v27;
	v19 =	vld.idx.msk [tilespmem:v30+s24+$0x0], $0xffff  }
.LBB2_7:
0xaf: {  	p0 =	sne.s32 s5, $0x38;
	v29 =	vor.u32 v3, v13;
	v30 =	vld.idx.msk [tilespmem:v26+s23+$0x0], $0xffff;
	v14 =	vmul.f32 v15, v14  }
0xb0: {  	v21 =	vmul.f32 v22, v21;
	v26 =	vld.idx.msk [tilespmem:v26+s24+$0x0], $0xffff;
	v15 =	vadd.f32 v28, v20;
	v20 =	vadd.f32 v27, v23  }
0xb1: {  	v22 =	vadd.s32 v10, v13;
	v23 =	vmul.f32 v4, v2;
	v2 =	vld.idx.msk [tilespmem:v25+s23+$0x0], $0xffff  }
0xb2: {  	v17 =	vmul.f32 v18, v17;
	v4 =	vld.idx.msk [tilespmem:v25+s24+$0x0], $0xffff;
	v25 =	vadd.f32 v14, v15;
	v20 =	vadd.f32 v21, v20  }
0xb3: {  	v7 =	vmul.f32 v7, v1;
	v27 =	vadd.s32 v12, v13;
	v18 =	vmov s5;
	v14 =	vld.idx.msk [tilespmem:v24+s23+$0x0], $0xffff  }
0xb4: {  	v16 =	vmul.f32 v19, v16;
	v15 =	vld.idx.msk [tilespmem:v24+s24+$0x0], $0xffff;
	v21 =	vadd.f32 v23, v25;
	v17 =	vadd.f32 v17, v20  }
0xb5: {  	v18 =	vshrl.u32 v18, $0x3;
	v1 =	vmov v30;
	v19 =	vld.idx.msk [tilespmem:v29+s23+$0x0], $0xffff  }
0xb6: {  	v24 =	vadd.s32 v9, v13;
	v28 =	vld.idx.msk [tilespmem:v29+s24+$0x0], $0xffff;
	v20 =	vadd.f32 v7, v21;
	v23 =	vadd.f32 v16, v17  }
0xb7: {  	v16 =	vshll.u32 v18, $0x3;
	v7 =	vmov v26;
	v29 =	vld.idx.msk [tilespmem:v22+s23+$0x0], $0xffff  }
0xb8: {  	v31 =	vadd.s32 v5, v13;
	v13 =	vbroadcast v16, $0x0;
	v30 =	vld.idx.msk [tilespmem:v22+s24+$0x0], $0xffff  }
0xb9: {  	v21 =	vld.idx.msk [tilespmem:v27+s23+$0x0], $0xffff  }
.Ltmp2:
0xba: {  	v26 =	vadd.s32 v6, v13;
	v22 =	vld.idx.msk [tilespmem:v27+s24+$0x0], $0xffff;
	(pc) =	sbr.rel @p0 .LBB2_7-.Ltmp2, $4  }
0xbb: {  	v17 =	vld.idx.msk [tilespmem:v24+s23+$0x0], $0xffff  }
0xbc: {  	v25 =	vadd.s32 v8, v13;
	v18 =	vld.idx.msk [tilespmem:v24+s24+$0x0], $0xffff  }
0xbd: {  	v16 =	vld.idx.msk [tilespmem:v31+s23+$0x0], $0xffff  }
0xbe: {  	s5 =	sadd.s32 $0x8, s5;
	v28 =	vmul.f32 v28, v19;
	v24 =	vadd.s32 v11, v13;
	v27 =	vmul.f32 v30, v29;
	v19 =	vld.idx.msk [tilespmem:v31+s24+$0x0], $0xffff  }
0xbf: {  	_ =	sdelay $0x3  }
0xc0: {  	v6 =	vld.idx.msk [tilespmem:v26+s23+$0x0], $0xffff  }
0xc1: {  	v3 =	vor.u32 v3, v13;
	v8 =	vld.idx.msk [tilespmem:v26+s24+$0x0], $0xffff  }
0xc2: {  	v11 =	vld.idx.msk [tilespmem:v25+s23+$0x0], $0xffff  }
0xc3: {  	v10 =	vadd.s32 v10, v13;
	v46 =	vld.idx.msk [tilespmem:v25+s24+$0x0], $0xffff  }
0xc4: {  	v47 =	vld.idx.msk [tilespmem:v24+s23+$0x0], $0xffff  }
0xc5: {  	v12 =	vadd.s32 v12, v13;
	v48 =	vld.idx.msk [tilespmem:v24+s24+$0x0], $0xffff  }
0xc6: {  	v29 =	vld.idx.msk [tilespmem:v3+s23+$0x0], $0xffff  }
0xc7: {  	v14 =	vmul.f32 v15, v14;
	v9 =	vadd.s32 v9, v13;
	v49 =	vadd.f32 v28, v20;
	v3 =	vld.idx.msk [tilespmem:v3+s24+$0x0], $0xffff  }
0xc8: {  	v21 =	vmul.f32 v22, v21;
	v50 =	vadd.f32 v27, v23;
	v51 =	vld.idx.msk [tilespmem:v10+s23+$0x0], $0xffff  }
0xc9: {  	v2 =	vmul.f32 v4, v2;
	v5 =	vadd.s32 v5, v13;
	v52 =	vadd.f32 v14, v49;
	v10 =	vld.idx.msk [tilespmem:v10+s24+$0x0], $0xffff  }
0xca: {  	v54 =	vmul.f32 v18, v17;
	v53 =	vadd.f32 v21, v50;
	v55 =	vld.idx.msk [tilespmem:v12+s23+$0x0], $0xffff  }
0xcb: {  	v1 =	vmul.f32 v7, v1;
	v2 =	vadd.f32 v2, v52;
	v56 =	vld.idx.msk [tilespmem:v12+s24+$0x0], $0xffff  }
0xcc: {  	v58 =	vmul.f32 v19, v16;
	v57 =	vadd.f32 v54, v53;
	v59 =	vld.idx.msk [tilespmem:v9+s23+$0x0], $0xffff  }
0xcd: {  	v1 =	vadd.f32 v1, v2;
	v2 =	vld.idx.msk [tilespmem:v9+s24+$0x0], $0xffff  }
0xce: {  	v60 =	vld.idx.msk [tilespmem:v5+s23+$0x0], $0xffff;
	v7 =	vadd.f32 v58, v57;
	v3 =	vmul.f32 v3, v29;
	v10 =	vmul.f32 v10, v51  }
0xcf: {  	v5 =	vld.idx.msk [tilespmem:v5+s24+$0x0], $0xffff;
	v61 =	vmul.f32 v48, v47  }
0xd0: {  	v4 =	vmul.f32 v56, v55;
	v1 =	vadd.f32 v3, v1;
	v3 =	vadd.f32 v10, v7  }
0xd1: {  	v62 =	vmul.f32 v46, v11  }
0xd2: {  	v2 =	vmul.f32 v2, v59;
	v1 =	vadd.f32 v61, v1;
	v3 =	vadd.f32 v4, v3  }
0xd3: {  	v63 =	vmul.f32 v8, v6  }
0xd4: {  	s31 =	sadd.s32 $0x1, s31;
	v1 =	vadd.f32 v62, v1;
	v2 =	vadd.f32 v2, v3;
	v3 =	vmul.f32 v5, v60  }
0xd5: {  	p0 =	sne.s32 s31, $0x8  }
.Ltmp3:
0xd6: {  	v1 =	vadd.f32 v63, v1;
	v2 =	vadd.f32 v3, v2;
	(pc) =	sbr.rel @p0 .LBB2_6-.Ltmp3, $3  }
0xd7: {  	_ = 	snop  }
0xd8: {  	v1 =	vadd.f32 v2, v1;
	_ =	sdelay $0x1  }
0xd9: {  	[tilespmem:s28+$0x10400] =	vst v1  }
0xda: {  	_ =	swait.ge [sflag:s25], $0x2000  }
0xdb: {  	[sflag:s25] =	ssyncset.done $0x0  }
0xdc: {  	[sflag:s25] =	ssyncadd.s32 $0xFFFFE000  }
0xdd: {  	_ =	swait.ge [sflag:s25], $0x2000  }
0xde: {  	[sflag:s25] =	ssyncset.done $0x0  }
0xdf: {  	s30 =	simm.s32 $0x0;
	s31 =	simm.s32 $0x0;
	[sflag:s25] =	ssyncadd.s32 $0xFFFFE000  }
.LBB2_10:
0xe0: {  	s5 =	sshll.u32 s31, $0x4;
	v1 =	vmov s30  }
0xe1: {  	s28 =	sadd.s32 $0x100, s5;
	v1 =	vshrl.u32 v1, $0x3  }
0xe2: {  	v2 =	vmov s28;
	v1 =	vshll.u32 v1, $0x3  }
0xe3: {  	v2 =	vshll.u32 v2, $0x6;
	v13 =	vbroadcast v1, $0x0  }
0xe4: {  	v3 =	vor.u32 v0, v2  }
0xe5: {  	v16 =	vor.u32 v3, v13  }
0xe6: {  	v6 =	vor.u32 $0x6, v3  }
0xe7: {  	v2 =	vadd.s32 v6, v13  }
0xe8: {  	v8 =	vor.u32 $0x4, v3  }
0xe9: {  	v11 =	vor.u32 $0x2, v3;
	v4 =	vadd.s32 v8, v13  }
0xea: {  	v5 =	vadd.s32 v11, v13;
	v19 =	vld.idx.msk [tilespmem:v16+s23+$0x0], $0xffff  }
0xeb: {  	v23 =	vld.idx.msk [tilespmem:v16+s24+$0x0], $0xffff  }
0xec: {  	v10 =	vor.u32 $0x1, v3;
	v1 =	vld.idx.msk [tilespmem:v2+s23+$0x0], $0xffff  }
0xed: {  	v17 =	vadd.s32 v10, v13;
	v7 =	vld.idx.msk [tilespmem:v2+s24+$0x0], $0xffff  }
0xee: {  	v12 =	vor.u32 $0x3, v3;
	v2 =	vld.idx.msk [tilespmem:v4+s23+$0x0], $0xffff  }
0xef: {  	s5 =	simm.s32 $0x8;
	v18 =	vadd.s32 v12, v13;
	v14 =	vld.idx.msk [tilespmem:v5+s23+$0x0], $0xffff  }
0xf0: {  	v20 =	vmov s5;
	v9 =	vor.u32 $0x5, v3;
	v15 =	vld.idx.msk [tilespmem:v5+s24+$0x0], $0xffff;
	v5 =	vor.u32 $0x7, v3  }
0xf1: {  	v16 =	vadd.s32 v9, v13;
	v4 =	vld.idx.msk [tilespmem:v4+s24+$0x0], $0xffff;
	v30 =	vadd.s32 v5, v13;
	v13 =	vshrl.u32 v20, $0x3  }
0xf2: {  	v27 =	vld.idx.msk [tilespmem:v17+s23+$0x0], $0xffff;
	v13 =	vshll.u32 v13, $0x3  }
0xf3: {  	v29 =	vld.idx.msk [tilespmem:v17+s24+$0x0], $0xffff;
	v13 =	vbroadcast v13, $0x0  }
0xf4: {  	v21 =	vld.idx.msk [tilespmem:v18+s23+$0x0], $0xffff  }
0xf5: {  	v22 =	vld.idx.msk [tilespmem:v18+s24+$0x0], $0xffff;
	v26 =	vadd.s32 v6, v13  }
0xf6: {  	v17 =	vld.idx.msk [tilespmem:v16+s23+$0x0], $0xffff  }
0xf7: {  	v18 =	vld.idx.msk [tilespmem:v16+s24+$0x0], $0xffff;
	v25 =	vadd.s32 v8, v13  }
0xf8: {  	v20 =	vimm.f32 $0.0e+00;
	v28 =	vmul.f32 v23, v19;
	v16 =	vld.idx.msk [tilespmem:v30+s23+$0x0], $0xffff  }
0xf9: {  	s5 =	simm.s32 $0x10;
	v23 =	vimm.f32 $0.0e+00;
	v24 =	vadd.s32 v11, v13;
	v27 =	vmul.f32 v29, v27;
	v19 =	vld.idx.msk [tilespmem:v30+s24+$0x0], $0xffff  }
.LBB2_11:
0xfa: {  	p0 =	sne.s32 s5, $0x38;
	v29 =	vor.u32 v3, v13;
	v30 =	vld.idx.msk [tilespmem:v26+s23+$0x0], $0xffff;
	v14 =	vmul.f32 v15, v14  }
0xfb: {  	v21 =	vmul.f32 v22, v21;
	v26 =	vld.idx.msk [tilespmem:v26+s24+$0x0], $0xffff;
	v15 =	vadd.f32 v28, v20;
	v20 =	vadd.f32 v27, v23  }
0xfc: {  	v22 =	vadd.s32 v10, v13;
	v23 =	vmul.f32 v4, v2;
	v2 =	vld.idx.msk [tilespmem:v25+s23+$0x0], $0xffff  }
0xfd: {  	v17 =	vmul.f32 v18, v17;
	v4 =	vld.idx.msk [tilespmem:v25+s24+$0x0], $0xffff;
	v25 =	vadd.f32 v14, v15;
	v20 =	vadd.f32 v21, v20  }
0xfe: {  	v7 =	vmul.f32 v7, v1;
	v27 =	vadd.s32 v12, v13;
	v18 =	vmov s5;
	v14 =	vld.idx.msk [tilespmem:v24+s23+$0x0], $0xffff  }
0xff: {  	v16 =	vmul.f32 v19, v16;
	v15 =	vld.idx.msk [tilespmem:v24+s24+$0x0], $0xffff;
	v21 =	vadd.f32 v23, v25;
	v17 =	vadd.f32 v17, v20  }
0x100: {  	v18 =	vshrl.u32 v18, $0x3;
	v1 =	vmov v30;
	v19 =	vld.idx.msk [tilespmem:v29+s23+$0x0], $0xffff  }
0x101: {  	v24 =	vadd.s32 v9, v13;
	v28 =	vld.idx.msk [tilespmem:v29+s24+$0x0], $0xffff;
	v20 =	vadd.f32 v7, v21;
	v23 =	vadd.f32 v16, v17  }
0x102: {  	v16 =	vshll.u32 v18, $0x3;
	v7 =	vmov v26;
	v29 =	vld.idx.msk [tilespmem:v22+s23+$0x0], $0xffff  }
0x103: {  	v31 =	vadd.s32 v5, v13;
	v13 =	vbroadcast v16, $0x0;
	v30 =	vld.idx.msk [tilespmem:v22+s24+$0x0], $0xffff  }
0x104: {  	v21 =	vld.idx.msk [tilespmem:v27+s23+$0x0], $0xffff  }
.Ltmp4:
0x105: {  	v26 =	vadd.s32 v6, v13;
	v22 =	vld.idx.msk [tilespmem:v27+s24+$0x0], $0xffff;
	(pc) =	sbr.rel @p0 .LBB2_11-.Ltmp4, $4  }
0x106: {  	v17 =	vld.idx.msk [tilespmem:v24+s23+$0x0], $0xffff  }
0x107: {  	v25 =	vadd.s32 v8, v13;
	v18 =	vld.idx.msk [tilespmem:v24+s24+$0x0], $0xffff  }
0x108: {  	v16 =	vld.idx.msk [tilespmem:v31+s23+$0x0], $0xffff  }
0x109: {  	s5 =	sadd.s32 $0x8, s5;
	v28 =	vmul.f32 v28, v19;
	v24 =	vadd.s32 v11, v13;
	v27 =	vmul.f32 v30, v29;
	v19 =	vld.idx.msk [tilespmem:v31+s24+$0x0], $0xffff  }
0x10a: {  	_ =	sdelay $0x3  }
0x10b: {  	v6 =	vld.idx.msk [tilespmem:v26+s23+$0x0], $0xffff  }
0x10c: {  	v3 =	vor.u32 v3, v13;
	v8 =	vld.idx.msk [tilespmem:v26+s24+$0x0], $0xffff  }
0x10d: {  	v11 =	vld.idx.msk [tilespmem:v25+s23+$0x0], $0xffff  }
0x10e: {  	v10 =	vadd.s32 v10, v13;
	v46 =	vld.idx.msk [tilespmem:v25+s24+$0x0], $0xffff  }
0x10f: {  	v47 =	vld.idx.msk [tilespmem:v24+s23+$0x0], $0xffff  }
0x110: {  	v12 =	vadd.s32 v12, v13;
	v48 =	vld.idx.msk [tilespmem:v24+s24+$0x0], $0xffff  }
0x111: {  	v29 =	vld.idx.msk [tilespmem:v3+s23+$0x0], $0xffff  }
0x112: {  	v14 =	vmul.f32 v15, v14;
	v9 =	vadd.s32 v9, v13;
	v49 =	vadd.f32 v28, v20;
	v3 =	vld.idx.msk [tilespmem:v3+s24+$0x0], $0xffff  }
0x113: {  	v21 =	vmul.f32 v22, v21;
	v50 =	vadd.f32 v27, v23;
	v51 =	vld.idx.msk [tilespmem:v10+s23+$0x0], $0xffff  }
0x114: {  	v2 =	vmul.f32 v4, v2;
	v5 =	vadd.s32 v5, v13;
	v52 =	vadd.f32 v14, v49;
	v10 =	vld.idx.msk [tilespmem:v10+s24+$0x0], $0xffff  }
0x115: {  	v54 =	vmul.f32 v18, v17;
	v53 =	vadd.f32 v21, v50;
	v55 =	vld.idx.msk [tilespmem:v12+s23+$0x0], $0xffff  }
0x116: {  	v1 =	vmul.f32 v7, v1;
	v2 =	vadd.f32 v2, v52;
	v56 =	vld.idx.msk [tilespmem:v12+s24+$0x0], $0xffff  }
0x117: {  	v58 =	vmul.f32 v19, v16;
	v57 =	vadd.f32 v54, v53;
	v59 =	vld.idx.msk [tilespmem:v9+s23+$0x0], $0xffff  }
0x118: {  	v1 =	vadd.f32 v1, v2;
	v2 =	vld.idx.msk [tilespmem:v9+s24+$0x0], $0xffff  }
0x119: {  	v60 =	vld.idx.msk [tilespmem:v5+s23+$0x0], $0xffff;
	v7 =	vadd.f32 v58, v57;
	v3 =	vmul.f32 v3, v29;
	v10 =	vmul.f32 v10, v51  }
0x11a: {  	v5 =	vld.idx.msk [tilespmem:v5+s24+$0x0], $0xffff;
	v61 =	vmul.f32 v48, v47  }
0x11b: {  	v4 =	vmul.f32 v56, v55;
	v1 =	vadd.f32 v3, v1;
	v3 =	vadd.f32 v10, v7  }
0x11c: {  	v62 =	vmul.f32 v46, v11  }
0x11d: {  	v2 =	vmul.f32 v2, v59;
	v1 =	vadd.f32 v61, v1;
	v3 =	vadd.f32 v4, v3  }
0x11e: {  	v63 =	vmul.f32 v8, v6  }
0x11f: {  	s31 =	sadd.s32 $0x1, s31;
	v1 =	vadd.f32 v62, v1;
	v2 =	vadd.f32 v2, v3;
	v3 =	vmul.f32 v5, v60  }
0x120: {  	p0 =	sne.s32 s31, $0x8  }
.Ltmp5:
0x121: {  	v1 =	vadd.f32 v63, v1;
	v2 =	vadd.f32 v3, v2;
	(pc) =	sbr.rel @p0 .LBB2_10-.Ltmp5, $3  }
0x122: {  	_ = 	snop  }
0x123: {  	v1 =	vadd.f32 v2, v1;
	_ =	sdelay $0x1  }
0x124: {  	[tilespmem:s28+$0x10400] =	vst v1  }
0x125: {  	_ =	swait.ge [sflag:s26], $0x2000  }
0x126: {  	[sflag:s26] =	ssyncset.done $0x0  }
0x127: {  	[sflag:s26] =	ssyncadd.s32 $0xFFFFE000  }
0x128: {  	_ =	swait.ge [sflag:s26], $0x2000  }
0x129: {  	[sflag:s26] =	ssyncset.done $0x0  }
0x12a: {  	s30 =	simm.s32 $0x0;
	s31 =	simm.s32 $0x0;
	[sflag:s26] =	ssyncadd.s32 $0xFFFFE000  }
.LBB2_14:
0x12b: {  	s5 =	sshll.u32 s31, $0x4;
	v1 =	vmov s30  }
0x12c: {  	s28 =	sadd.s32 $0x180, s5;
	v1 =	vshrl.u32 v1, $0x3  }
0x12d: {  	v2 =	vmov s28;
	v1 =	vshll.u32 v1, $0x3  }
0x12e: {  	v2 =	vshll.u32 v2, $0x6;
	v13 =	vbroadcast v1, $0x0  }
0x12f: {  	v3 =	vor.u32 v0, v2  }
0x130: {  	v16 =	vor.u32 v3, v13  }
0x131: {  	v6 =	vor.u32 $0x6, v3  }
0x132: {  	v2 =	vadd.s32 v6, v13  }
0x133: {  	v8 =	vor.u32 $0x4, v3  }
0x134: {  	v11 =	vor.u32 $0x2, v3;
	v4 =	vadd.s32 v8, v13  }
0x135: {  	v5 =	vadd.s32 v11, v13;
	v19 =	vld.idx.msk [tilespmem:v16+s23+$0x0], $0xffff  }
0x136: {  	v23 =	vld.idx.msk [tilespmem:v16+s24+$0x0], $0xffff  }
0x137: {  	v10 =	vor.u32 $0x1, v3;
	v1 =	vld.idx.msk [tilespmem:v2+s23+$0x0], $0xffff  }
0x138: {  	v17 =	vadd.s32 v10, v13;
	v7 =	vld.idx.msk [tilespmem:v2+s24+$0x0], $0xffff  }
0x139: {  	v12 =	vor.u32 $0x3, v3;
	v2 =	vld.idx.msk [tilespmem:v4+s23+$0x0], $0xffff  }
0x13a: {  	s5 =	simm.s32 $0x8;
	v18 =	vadd.s32 v12, v13;
	v14 =	vld.idx.msk [tilespmem:v5+s23+$0x0], $0xffff  }
0x13b: {  	v20 =	vmov s5;
	v9 =	vor.u32 $0x5, v3;
	v15 =	vld.idx.msk [tilespmem:v5+s24+$0x0], $0xffff;
	v5 =	vor.u32 $0x7, v3  }
0x13c: {  	v16 =	vadd.s32 v9, v13;
	v4 =	vld.idx.msk [tilespmem:v4+s24+$0x0], $0xffff;
	v30 =	vadd.s32 v5, v13;
	v13 =	vshrl.u32 v20, $0x3  }
0x13d: {  	v27 =	vld.idx.msk [tilespmem:v17+s23+$0x0], $0xffff;
	v13 =	vshll.u32 v13, $0x3  }
0x13e: {  	v29 =	vld.idx.msk [tilespmem:v17+s24+$0x0], $0xffff;
	v13 =	vbroadcast v13, $0x0  }
0x13f: {  	v21 =	vld.idx.msk [tilespmem:v18+s23+$0x0], $0xffff  }
0x140: {  	v22 =	vld.idx.msk [tilespmem:v18+s24+$0x0], $0xffff;
	v26 =	vadd.s32 v6, v13  }
0x141: {  	v17 =	vld.idx.msk [tilespmem:v16+s23+$0x0], $0xffff  }
0x142: {  	v18 =	vld.idx.msk [tilespmem:v16+s24+$0x0], $0xffff;
	v25 =	vadd.s32 v8, v13  }
0x143: {  	v20 =	vimm.f32 $0.0e+00;
	v28 =	vmul.f32 v23, v19;
	v16 =	vld.idx.msk [tilespmem:v30+s23+$0x0], $0xffff  }
0x144: {  	s5 =	simm.s32 $0x10;
	v23 =	vimm.f32 $0.0e+00;
	v24 =	vadd.s32 v11, v13;
	v27 =	vmul.f32 v29, v27;
	v19 =	vld.idx.msk [tilespmem:v30+s24+$0x0], $0xffff  }
.LBB2_15:
0x145: {  	p0 =	sne.s32 s5, $0x38;
	v29 =	vor.u32 v3, v13;
	v30 =	vld.idx.msk [tilespmem:v26+s23+$0x0], $0xffff;
	v14 =	vmul.f32 v15, v14  }
0x146: {  	v21 =	vmul.f32 v22, v21;
	v26 =	vld.idx.msk [tilespmem:v26+s24+$0x0], $0xffff;
	v15 =	vadd.f32 v28, v20;
	v20 =	vadd.f32 v27, v23  }
0x147: {  	v22 =	vadd.s32 v10, v13;
	v23 =	vmul.f32 v4, v2;
	v2 =	vld.idx.msk [tilespmem:v25+s23+$0x0], $0xffff  }
0x148: {  	v17 =	vmul.f32 v18, v17;
	v4 =	vld.idx.msk [tilespmem:v25+s24+$0x0], $0xffff;
	v25 =	vadd.f32 v14, v15;
	v20 =	vadd.f32 v21, v20  }
0x149: {  	v7 =	vmul.f32 v7, v1;
	v27 =	vadd.s32 v12, v13;
	v18 =	vmov s5;
	v14 =	vld.idx.msk [tilespmem:v24+s23+$0x0], $0xffff  }
0x14a: {  	v16 =	vmul.f32 v19, v16;
	v15 =	vld.idx.msk [tilespmem:v24+s24+$0x0], $0xffff;
	v21 =	vadd.f32 v23, v25;
	v17 =	vadd.f32 v17, v20  }
0x14b: {  	v18 =	vshrl.u32 v18, $0x3;
	v1 =	vmov v30;
	v19 =	vld.idx.msk [tilespmem:v29+s23+$0x0], $0xffff  }
0x14c: {  	v24 =	vadd.s32 v9, v13;
	v28 =	vld.idx.msk [tilespmem:v29+s24+$0x0], $0xffff;
	v20 =	vadd.f32 v7, v21;
	v23 =	vadd.f32 v16, v17  }
0x14d: {  	v16 =	vshll.u32 v18, $0x3;
	v7 =	vmov v26;
	v29 =	vld.idx.msk [tilespmem:v22+s23+$0x0], $0xffff  }
0x14e: {  	v31 =	vadd.s32 v5, v13;
	v13 =	vbroadcast v16, $0x0;
	v30 =	vld.idx.msk [tilespmem:v22+s24+$0x0], $0xffff  }
0x14f: {  	v21 =	vld.idx.msk [tilespmem:v27+s23+$0x0], $0xffff  }
.Ltmp6:
0x150: {  	v26 =	vadd.s32 v6, v13;
	v22 =	vld.idx.msk [tilespmem:v27+s24+$0x0], $0xffff;
	(pc) =	sbr.rel @p0 .LBB2_15-.Ltmp6, $4  }
0x151: {  	v17 =	vld.idx.msk [tilespmem:v24+s23+$0x0], $0xffff  }
0x152: {  	v25 =	vadd.s32 v8, v13;
	v18 =	vld.idx.msk [tilespmem:v24+s24+$0x0], $0xffff  }
0x153: {  	v16 =	vld.idx.msk [tilespmem:v31+s23+$0x0], $0xffff  }
0x154: {  	s5 =	sadd.s32 $0x8, s5;
	v28 =	vmul.f32 v28, v19;
	v24 =	vadd.s32 v11, v13;
	v27 =	vmul.f32 v30, v29;
	v19 =	vld.idx.msk [tilespmem:v31+s24+$0x0], $0xffff  }
0x155: {  	_ =	sdelay $0x3  }
0x156: {  	v6 =	vld.idx.msk [tilespmem:v26+s23+$0x0], $0xffff  }
0x157: {  	v3 =	vor.u32 v3, v13;
	v8 =	vld.idx.msk [tilespmem:v26+s24+$0x0], $0xffff  }
0x158: {  	v11 =	vld.idx.msk [tilespmem:v25+s23+$0x0], $0xffff  }
0x159: {  	v10 =	vadd.s32 v10, v13;
	v46 =	vld.idx.msk [tilespmem:v25+s24+$0x0], $0xffff  }
0x15a: {  	v47 =	vld.idx.msk [tilespmem:v24+s23+$0x0], $0xffff  }
0x15b: {  	v12 =	vadd.s32 v12, v13;
	v48 =	vld.idx.msk [tilespmem:v24+s24+$0x0], $0xffff  }
0x15c: {  	v29 =	vld.idx.msk [tilespmem:v3+s23+$0x0], $0xffff  }
0x15d: {  	v14 =	vmul.f32 v15, v14;
	v9 =	vadd.s32 v9, v13;
	v49 =	vadd.f32 v28, v20;
	v3 =	vld.idx.msk [tilespmem:v3+s24+$0x0], $0xffff  }
0x15e: {  	v21 =	vmul.f32 v22, v21;
	v50 =	vadd.f32 v27, v23;
	v51 =	vld.idx.msk [tilespmem:v10+s23+$0x0], $0xffff  }
0x15f: {  	v2 =	vmul.f32 v4, v2;
	v5 =	vadd.s32 v5, v13;
	v52 =	vadd.f32 v14, v49;
	v10 =	vld.idx.msk [tilespmem:v10+s24+$0x0], $0xffff  }
0x160: {  	v54 =	vmul.f32 v18, v17;
	v53 =	vadd.f32 v21, v50;
	v55 =	vld.idx.msk [tilespmem:v12+s23+$0x0], $0xffff  }
0x161: {  	v1 =	vmul.f32 v7, v1;
	v2 =	vadd.f32 v2, v52;
	v56 =	vld.idx.msk [tilespmem:v12+s24+$0x0], $0xffff  }
0x162: {  	v58 =	vmul.f32 v19, v16;
	v57 =	vadd.f32 v54, v53;
	v59 =	vld.idx.msk [tilespmem:v9+s23+$0x0], $0xffff  }
0x163: {  	v1 =	vadd.f32 v1, v2;
	v2 =	vld.idx.msk [tilespmem:v9+s24+$0x0], $0xffff  }
0x164: {  	v60 =	vld.idx.msk [tilespmem:v5+s23+$0x0], $0xffff;
	v7 =	vadd.f32 v58, v57;
	v3 =	vmul.f32 v3, v29;
	v10 =	vmul.f32 v10, v51  }
0x165: {  	v5 =	vld.idx.msk [tilespmem:v5+s24+$0x0], $0xffff;
	v61 =	vmul.f32 v48, v47  }
0x166: {  	v4 =	vmul.f32 v56, v55;
	v1 =	vadd.f32 v3, v1;
	v3 =	vadd.f32 v10, v7  }
0x167: {  	v62 =	vmul.f32 v46, v11  }
0x168: {  	v2 =	vmul.f32 v2, v59;
	v1 =	vadd.f32 v61, v1;
	v3 =	vadd.f32 v4, v3  }
0x169: {  	v63 =	vmul.f32 v8, v6  }
0x16a: {  	s31 =	sadd.s32 $0x1, s31;
	v1 =	vadd.f32 v62, v1;
	v2 =	vadd.f32 v2, v3;
	v3 =	vmul.f32 v5, v60  }
0x16b: {  	p0 =	sne.s32 s31, $0x8  }
.Ltmp7:
0x16c: {  	v1 =	vadd.f32 v63, v1;
	v2 =	vadd.f32 v3, v2;
	(pc) =	sbr.rel @p0 .LBB2_14-.Ltmp7, $3  }
0x16d: {  	_ = 	snop  }
0x16e: {  	v1 =	vadd.f32 v2, v1;
	_ =	sdelay $0x1  }
0x16f: {  	[tilespmem:s28+$0x10400] =	vst v1  }
0x170: {  	s29 =	sadd.s32 $0x1, s29  }
0x171: {  	p0 =	sne.s32 s29, s14  }
.Ltmp8:
0x172: {  	s5 =	simm.s32 $0x10400;
	(pc) =	sbr.rel @p0 .LBB2_1-.Ltmp8, $4  }
0x173: {  	[hbm4b:s13+s1] =	stream.linear.scatter [tilespmem:s5], [sflag:$0x5], $0x200, $0x38;
	[tilespmem:$0x10600] =	vst v63  }
0x174: {  	_ =	swait.ge [sflag:s15], $0x200  }
0x175: {  	[sflag:s15] =	ssyncset.done $0x0  }
0x176: {  	[sflag:s15] =	ssyncadd.s32 $0xFFFFFE00  }
0x177: {  	_ =	sfence.sel $0x180000  }
0x178: {  	[bflag:$0x0] =	sbarrier.arrive $0xFFFF  }
0x179: {  	_ =	strace $0x90000047  }
0x17a: {  	s0 =	stileid.u32;
	[bflag:$0x2] =	sbarrier.arrive $0xFFFF  }
0x17b: {  	p0 =	sne.s32 s0, $0x0;
	s0 =	rddreg [dreg:$0x4]  }
0x17c: {  	s0 =	sadd.s32 @!p0 $0x100000, s0  }
0x17d: {  	[sflag:s0] =	ssyncadd.tile.s32 @!p0 $0x1;
	_ =	shalt  }
.Lfunc_end2:
_tile_overlayer_lowered:
.L_overlay_start_2:
0x17e: {  	(tag) =	ssettag $0x2  }
0x17f: {  	s0 =	rddreg [dreg:$0x0];
	s2 =	stileid.u32  }
0x180: {  	s1 =	rddreg [dreg:$0x1];
	p0 =	sne.s32 s2, $0x0  }
0x181: {  	s3 =	rddreg [dreg:$0x2];
	[bflag:$0x3] =	sbarrier.arrive $0xFFFF;
	s2 =	simm.s32 @!p0 $0x1C05  }
0x182: {  	[timem:s3], [sflag:s2] =	dma.local @!p0 [hbm:s0], s1  }
0x183: {  	s0 =	simm.s32 @!p0 $0x5  }
0x184: {  	_ =	swait.ge @!p0 [sflag:s0], s1  }
0x185: {  	s1 =	ssub.s32 @!p0 $0x0, s1;
	[sflag:s0] =	ssyncset.done @!p0 $0x0  }
0x186: {  	[sflag:s0] =	ssyncadd.s32 @!p0 s1  }
0x187: {  	[bflag:$0x3] =	sbarrier.arrive $0xFFFF  }
0x188: {  	_ =	shalt  }

</sc_bundles>
